<compile_context>
chip_gen: v7x
topology: tpu7x:2x2x1
jax: 0.10.2.dev20260603
libtpu: 0.0.44.dev20260713+nightly
codegen_flags: <defaults>
</compile_context>

<pallas_src>
import functools

import jax
import jax.numpy as jnp
from jax import lax
from jax.experimental import pallas as pl
from jax.experimental.pallas import tpu as pltpu
from jax.experimental.pallas import tpu_sc as plsc

EMB_DIM = 128
BATCH = 4096
HIST = 50

NC = 2
NS = 16
NW = NC * NS

NCB = 16
NBAND = 2
BLOCK = BATCH // NCB
GLEN = 128
GPC = BLOCK // GLEN
BAND = HIST // NBAND
NBUF = 3
GAHEAD = 2


def _make_gather():
  mesh = plsc.VectorSubcoreMesh(core_axis_name="c", subcore_axis_name="s")

  @functools.partial(
      pl.kernel,
      mesh=mesh,
      out_type=jax.ShapeDtypeStruct((HIST, BATCH, EMB_DIM), jnp.float32),
      scratch_types=[
          pltpu.VMEM((HIST, BLOCK), jnp.int32),
          pltpu.VMEM((NBUF, BLOCK, EMB_DIM), jnp.float32),
          pltpu.SemaphoreType.DMA,
          pltpu.SemaphoreType.DMA,
      ],
      compiler_params=pltpu.CompilerParams(use_tc_tiling_on_sc=True),
  )
  def gather_kernel(table_hbm, idx_hbm, out_hbm, idx_v, rows_v, gsem, ssem):
    wid = lax.axis_index("s") * NC + lax.axis_index("c")
    cb = lax.rem(wid, NCB)
    band = wid // NCB
    col = cb * BLOCK
    h0 = band * BAND
    skip = h0
    pltpu.sync_copy(idx_hbm.at[:, pl.ds(col, BLOCK)], idx_v)

    def fill(j):
      b = lax.rem(j, NBUF)
      for g in range(GPC):
        pltpu.async_copy(
            table_hbm.at[idx_v.at[j + skip, pl.ds(g * GLEN, GLEN)]],
            rows_v.at[b, pl.ds(g * GLEN, GLEN)], gsem)

    def drain_gather(j):
      b = lax.rem(j, NBUF)
      for g in range(GPC):
        pltpu.make_async_copy(
            table_hbm.at[idx_v.at[j + skip, pl.ds(g * GLEN, GLEN)]],
            rows_v.at[b, pl.ds(g * GLEN, GLEN)], gsem).wait()

    def start_store(j):
      pltpu.make_async_copy(rows_v.at[lax.rem(j, NBUF)],
                            out_hbm.at[h0 + j, pl.ds(col, BLOCK)],
                            ssem).start()

    def drain_store(j):
      pltpu.make_async_copy(rows_v.at[lax.rem(j, NBUF)],
                            out_hbm.at[h0 + j, pl.ds(col, BLOCK)],
                            ssem).wait()

    for j in range(GAHEAD):
      fill(j)

    for j in range(NBUF - GAHEAD):
      fill(j + GAHEAD)
      drain_gather(j)
      start_store(j)

    def step(j, carry):
      drain_store(j - (NBUF - GAHEAD))
      fill(j + GAHEAD)
      drain_gather(j)
      start_store(j)
      return carry

    lax.fori_loop(NBUF - GAHEAD, BAND - GAHEAD, step, 0)

    for j in range(BAND - GAHEAD, BAND):
      drain_store(j - (NBUF - GAHEAD))
      drain_gather(j)
      start_store(j)
    for j in range(BAND - (NBUF - GAHEAD), BAND):
      drain_store(j)

  return gather_kernel


_gather = _make_gather()


def kernel(x, table):
  out = _gather(table, x.T.astype(jnp.int32))
  return out.transpose(1, 0, 2)

# --- scband reference (transcript-rebuilt; emitter-appended) ---
"""Pipeline reference for scband-word-embedding-51548197486881 (READ-ONLY COPY).

The authoritative reference and input builder live on the scoring server;
editing this copy changes nothing except your own understanding.
"""

import jax, jax.numpy as jnp
import numpy as np

NTOKEN = 100000
EMB_DIM = 128
BATCH = 4096
HIST = 50

def setup_inputs(seed: int = 0) -> dict:
    key = jax.random.key(seed)
    k1, k2 = jax.random.split(key)
    x = jax.random.randint(k1, (BATCH, HIST), 0, NTOKEN)
    # embedding table of size ntoken+1; row `ntoken` is the padding row (initialized to zero)
    table = jax.random.normal(k2, (NTOKEN + 1, EMB_DIM), dtype=jnp.float32)
    table = table.at[NTOKEN].set(0.0)
    return {"x": x, "table": table}

def reference(x, table):
    # Word_Embedding.forward: emb = self.emb(x); emb = self.dropout(emb)
    # dropout p=0.0 -> identity
    emb = jnp.take(table, x, axis=0)
    return emb

if __name__ == "__main__":
    import jax
    _d = setup_inputs()
    print(jax.jit(kernel)(*tuple(_d.values())))

</pallas_src>

<mosaic_0001>
#map = affine_map<(d0, d1) -> (0, 0)>
#map1 = affine_map<(d0, d1) -> (0, 0, 0)>
module attributes {stable_mosaic.version = 14 : i64} {
  func.func @gather_kernel(%arg0: i32, %arg1: i32, %arg2: memref<100001x128xf32, #tpu.memory_space<hbm>>, %arg3: memref<50x4096xi32, #tpu.memory_space<hbm>>, %arg4: memref<50x4096x128xf32, #tpu.memory_space<hbm>>, %arg5: memref<50x256xi32, #tpu.memory_space<vmem>>, %arg6: memref<3x256x128xf32, #tpu.memory_space<vmem>>, %arg7: memref<!tpu.dma_semaphore, #tpu.memory_space<semaphore_mem>>, %arg8: memref<!tpu.dma_semaphore, #tpu.memory_space<semaphore_mem>>) attributes {dimension_semantics = [#tpu.dimension_semantics<core_parallel>, #tpu.dimension_semantics<subcore_parallel>], iteration_bounds = array<i64: 2, 16>, scalar_prefetch = 0 : i64, scratch_operands = 4 : i64, tpu.core_type = #tpu.core_type<sc_vector_subcore>, window_params = [{transform_indices = #map}, {transform_indices = #map}, {transform_indices = #map1}]} {
    %mul3A = arith.constant 2 : i32
    %mul3A_0 = arith.muli %arg1, %mul3A : i32
    %add3A = arith.addi %mul3A_0, %arg0 : i32
    %rem3A = arith.constant 16 : i32
    %rem3A_1 = arith.remsi %add3A, %rem3A : i32
    %jit3A = arith.constant 16 : i32
    %div3A = arith.divsi %add3A, %jit3A : i32
    %sign3A = arith.constant 0 : i32
    %sign3A_2 = arith.cmpi sgt, %add3A, %sign3A : i32
    %sign3A_3 = arith.extui %sign3A_2 : i1 to i32
    %sign3A_4 = arith.constant 0 : i32
    %sign3A_5 = arith.cmpi slt, %add3A, %sign3A_4 : i32
    %sign3A_6 = arith.extui %sign3A_5 : i1 to i32
    %sign3A_7 = arith.subi %sign3A_3, %sign3A_6 : i32
    %sign3A_8 = arith.constant 0 : i32
    %sign3A_9 = arith.cmpi sgt, %jit3A, %sign3A_8 : i32
    %sign3A_10 = arith.extui %sign3A_9 : i1 to i32
    %sign3A_11 = arith.constant 0 : i32
    %sign3A_12 = arith.cmpi slt, %jit3A, %sign3A_11 : i32
    %sign3A_13 = arith.extui %sign3A_12 : i1 to i32
    %sign3A_14 = arith.subi %sign3A_10, %sign3A_13 : i32
    %ne3A = arith.cmpi ne, %sign3A_7, %sign3A_14 : i32
    %rem3A_15 = arith.remsi %add3A, %jit3A : i32
    %ne3A_16 = arith.constant 0 : i32
    %ne3A_17 = arith.cmpi ne, %rem3A_15, %ne3A_16 : i32
    %and3A = arith.andi %ne3A, %ne3A_17 : i1
    %sub3A = arith.constant 1 : i32
    %sub3A_18 = arith.subi %div3A, %sub3A : i32
    %select_n3A = arith.select %and3A, %sub3A_18, %div3A : i32
    %mul3A_19 = arith.constant 256 : i32
    %mul3A_20 = arith.muli %rem3A_1, %mul3A_19 : i32
    %mul3A_21 = arith.constant 25 : i32
    %mul3A_22 = arith.muli %select_n3A, %mul3A_21 : i32
    "tpu.region"() ({
      %run_scoped3A = tpu.sem_alloc : memref<!tpu.dma_semaphore, #tpu.memory_space<semaphore_mem>>
      %dma_start3A_302 = arith.constant 0 : i32
      %dma_start3A_303 = tpu.memref_slice %arg3[%dma_start3A_302, %mul3A_20] : memref<50x4096xi32, #tpu.memory_space<hbm>> -> memref<50x256xi32, #tpu.memory_space<hbm>>
      %dma_start3A_304 = arith.constant 0 : i32
      %dma_start3A_305 = tpu.memref_slice %arg3[%dma_start3A_304, %mul3A_20] : memref<50x4096xi32, #tpu.memory_space<hbm>> -> memref<50x256xi32, #tpu.memory_space<hbm>>
      tpu.enqueue_dma source(%dma_start3A_305 : memref<50x256xi32, #tpu.memory_space<hbm>>) target(%arg5 : memref<50x256xi32, #tpu.memory_space<vmem>>) target_semaphore(%run_scoped3A : memref<!tpu.dma_semaphore, #tpu.memory_space<semaphore_mem>>)
      %dma_wait3A_306 = arith.constant 0 : i32
      %dma_wait3A_307 = tpu.memref_slice %arg3[%dma_wait3A_306, %mul3A_20] : memref<50x4096xi32, #tpu.memory_space<hbm>> -> memref<50x256xi32, #tpu.memory_space<hbm>>
      %dma_wait3A_308 = arith.constant 0 : i32
      %dma_wait3A_309 = tpu.memref_slice %arg3[%dma_wait3A_308, %mul3A_20] : memref<50x4096xi32, #tpu.memory_space<hbm>> -> memref<50x256xi32, #tpu.memory_space<hbm>>
      tpu.wait_dma2 semaphore(%run_scoped3A : memref<!tpu.dma_semaphore, #tpu.memory_space<semaphore_mem>>) src(%dma_wait3A_309 : memref<50x256xi32, #tpu.memory_space<hbm>>) dst(%arg5 : memref<50x256xi32, #tpu.memory_space<vmem>>)
      tpu.yield
    }) : () -> ()
    %rem3A_23 = arith.constant 0 : i32
    %rem3A_24 = arith.constant 3 : i32
    %rem3A_25 = arith.remsi %rem3A_23, %rem3A_24 : i32
    %add3A_26 = arith.constant 0 : i32
    %add3A_27 = arith.addi %add3A_26, %mul3A_22 : i32
    %dma_start3A = arith.constant 0 : i32
    %dma_start3A_28 = arith.constant 0 : i32
    %dma_start3A_29 = tpu.memref_slice %arg6[%rem3A_25, %dma_start3A, %dma_start3A_28] : memref<3x256x128xf32, #tpu.memory_space<vmem>> -> memref<1x128x128xf32, #tpu.memory_space<vmem>>
    %dma_start3A_30 = tpu.memref_squeeze %dma_start3A_29 : memref<1x128x128xf32, #tpu.memory_space<vmem>> -> memref<128x128xf32, #tpu.memory_space<vmem>>
    %dma_start3A_31 = arith.constant 0 : i32
    %dma_start3A_32 = tpu.memref_slice %arg5[%add3A_27, %dma_start3A_31] : memref<50x256xi32, #tpu.memory_space<vmem>> -> memref<1x128xi32, #tpu.memory_space<vmem>>
    %dma_start3A_33 = tpu.memref_squeeze %dma_start3A_32 : memref<1x128xi32, #tpu.memory_space<vmem>> -> memref<128xi32, #tpu.memory_space<vmem>>
    %dma_start3A_34 = arith.constant 0 : i32
    %dma_start3A_35 = arith.constant 0 : i32
    %dma_start3A_36 = tpu.memref_slice %arg2[%dma_start3A_34, %dma_start3A_35] : memref<100001x128xf32, #tpu.memory_space<hbm>> -> memref<100001x128xf32, #tpu.memory_space<hbm>>
    tpu.enqueue_indirect_dma source(%dma_start3A_36 : memref<100001x128xf32, #tpu.memory_space<hbm>>) target(%dma_start3A_30 : memref<128x128xf32, #tpu.memory_space<vmem>>) offsets(%dma_start3A_33 : memref<128xi32, #tpu.memory_space<vmem>>) semaphore(%arg7 : memref<!tpu.dma_semaphore, #tpu.memory_space<semaphore_mem>>)
    %add3A_37 = arith.constant 0 : i32
    %add3A_38 = arith.addi %add3A_37, %mul3A_22 : i32
    %dma_start3A_39 = arith.constant 128 : i32
    %dma_start3A_40 = arith.constant 0 : i32
    %dma_start3A_41 = tpu.memref_slice %arg6[%rem3A_25, %dma_start3A_39, %dma_start3A_40] : memref<3x256x128xf32, #tpu.memory_space<vmem>> -> memref<1x128x128xf32, #tpu.memory_space<vmem>>
    %dma_start3A_42 = tpu.memref_squeeze %dma_start3A_41 : memref<1x128x128xf32, #tpu.memory_space<vmem>> -> memref<128x128xf32, #tpu.memory_space<vmem>>
    %dma_start3A_43 = arith.constant 128 : i32
    %dma_start3A_44 = tpu.memref_slice %arg5[%add3A_38, %dma_start3A_43] : memref<50x256xi32, #tpu.memory_space<vmem>> -> memref<1x128xi32, #tpu.memory_space<vmem>>
    %dma_start3A_45 = tpu.memref_squeeze %dma_start3A_44 : memref<1x128xi32, #tpu.memory_space<vmem>> -> memref<128xi32, #tpu.memory_space<vmem>>
    %dma_start3A_46 = arith.constant 0 : i32
    %dma_start3A_47 = arith.constant 0 : i32
    %dma_start3A_48 = tpu.memref_slice %arg2[%dma_start3A_46, %dma_start3A_47] : memref<100001x128xf32, #tpu.memory_space<hbm>> -> memref<100001x128xf32, #tpu.memory_space<hbm>>
    tpu.enqueue_indirect_dma source(%dma_start3A_48 : memref<100001x128xf32, #tpu.memory_space<hbm>>) target(%dma_start3A_42 : memref<128x128xf32, #tpu.memory_space<vmem>>) offsets(%dma_start3A_45 : memref<128xi32, #tpu.memory_space<vmem>>) semaphore(%arg7 : memref<!tpu.dma_semaphore, #tpu.memory_space<semaphore_mem>>)
    %rem3A_49 = arith.constant 1 : i32
    %rem3A_50 = arith.constant 3 : i32
    %rem3A_51 = arith.remsi %rem3A_49, %rem3A_50 : i32
    %add3A_52 = arith.constant 1 : i32
    %add3A_53 = arith.addi %add3A_52, %mul3A_22 : i32
    %dma_start3A_54 = arith.constant 0 : i32
    %dma_start3A_55 = arith.constant 0 : i32
    %dma_start3A_56 = tpu.memref_slice %arg6[%rem3A_51, %dma_start3A_54, %dma_start3A_55] : memref<3x256x128xf32, #tpu.memory_space<vmem>> -> memref<1x128x128xf32, #tpu.memory_space<vmem>>
    %dma_start3A_57 = tpu.memref_squeeze %dma_start3A_56 : memref<1x128x128xf32, #tpu.memory_space<vmem>> -> memref<128x128xf32, #tpu.memory_space<vmem>>
    %dma_start3A_58 = arith.constant 0 : i32
    %dma_start3A_59 = tpu.memref_slice %arg5[%add3A_53, %dma_start3A_58] : memref<50x256xi32, #tpu.memory_space<vmem>> -> memref<1x128xi32, #tpu.memory_space<vmem>>
    %dma_start3A_60 = tpu.memref_squeeze %dma_start3A_59 : memref<1x128xi32, #tpu.memory_space<vmem>> -> memref<128xi32, #tpu.memory_space<vmem>>
    %dma_start3A_61 = arith.constant 0 : i32
    %dma_start3A_62 = arith.constant 0 : i32
    %dma_start3A_63 = tpu.memref_slice %arg2[%dma_start3A_61, %dma_start3A_62] : memref<100001x128xf32, #tpu.memory_space<hbm>> -> memref<100001x128xf32, #tpu.memory_space<hbm>>
    tpu.enqueue_indirect_dma source(%dma_start3A_63 : memref<100001x128xf32, #tpu.memory_space<hbm>>) target(%dma_start3A_57 : memref<128x128xf32, #tpu.memory_space<vmem>>) offsets(%dma_start3A_60 : memref<128xi32, #tpu.memory_space<vmem>>) semaphore(%arg7 : memref<!tpu.dma_semaphore, #tpu.memory_space<semaphore_mem>>)
    %add3A_64 = arith.constant 1 : i32
    %add3A_65 = arith.addi %add3A_64, %mul3A_22 : i32
    %dma_start3A_66 = arith.constant 128 : i32
    %dma_start3A_67 = arith.constant 0 : i32
    %dma_start3A_68 = tpu.memref_slice %arg6[%rem3A_51, %dma_start3A_66, %dma_start3A_67] : memref<3x256x128xf32, #tpu.memory_space<vmem>> -> memref<1x128x128xf32, #tpu.memory_space<vmem>>
    %dma_start3A_69 = tpu.memref_squeeze %dma_start3A_68 : memref<1x128x128xf32, #tpu.memory_space<vmem>> -> memref<128x128xf32, #tpu.memory_space<vmem>>
    %dma_start3A_70 = arith.constant 128 : i32
    %dma_start3A_71 = tpu.memref_slice %arg5[%add3A_65, %dma_start3A_70] : memref<50x256xi32, #tpu.memory_space<vmem>> -> memref<1x128xi32, #tpu.memory_space<vmem>>
    %dma_start3A_72 = tpu.memref_squeeze %dma_start3A_71 : memref<1x128xi32, #tpu.memory_space<vmem>> -> memref<128xi32, #tpu.memory_space<vmem>>
    %dma_start3A_73 = arith.constant 0 : i32
    %dma_start3A_74 = arith.constant 0 : i32
    %dma_start3A_75 = tpu.memref_slice %arg2[%dma_start3A_73, %dma_start3A_74] : memref<100001x128xf32, #tpu.memory_space<hbm>> -> memref<100001x128xf32, #tpu.memory_space<hbm>>
    tpu.enqueue_indirect_dma source(%dma_start3A_75 : memref<100001x128xf32, #tpu.memory_space<hbm>>) target(%dma_start3A_69 : memref<128x128xf32, #tpu.memory_space<vmem>>) offsets(%dma_start3A_72 : memref<128xi32, #tpu.memory_space<vmem>>) semaphore(%arg7 : memref<!tpu.dma_semaphore, #tpu.memory_space<semaphore_mem>>)
    %rem3A_76 = arith.constant 2 : i32
    %rem3A_77 = arith.constant 3 : i32
    %rem3A_78 = arith.remsi %rem3A_76, %rem3A_77 : i32
    %add3A_79 = arith.constant 2 : i32
    %add3A_80 = arith.addi %add3A_79, %mul3A_22 : i32
    %dma_start3A_81 = arith.constant 0 : i32
    %dma_start3A_82 = arith.constant 0 : i32
    %dma_start3A_83 = tpu.memref_slice %arg6[%rem3A_78, %dma_start3A_81, %dma_start3A_82] : memref<3x256x128xf32, #tpu.memory_space<vmem>> -> memref<1x128x128xf32, #tpu.memory_space<vmem>>
    %dma_start3A_84 = tpu.memref_squeeze %dma_start3A_83 : memref<1x128x128xf32, #tpu.memory_space<vmem>> -> memref<128x128xf32, #tpu.memory_space<vmem>>
    %dma_start3A_85 = arith.constant 0 : i32
    %dma_start3A_86 = tpu.memref_slice %arg5[%add3A_80, %dma_start3A_85] : memref<50x256xi32, #tpu.memory_space<vmem>> -> memref<1x128xi32, #tpu.memory_space<vmem>>
    %dma_start3A_87 = tpu.memref_squeeze %dma_start3A_86 : memref<1x128xi32, #tpu.memory_space<vmem>> -> memref<128xi32, #tpu.memory_space<vmem>>
    %dma_start3A_88 = arith.constant 0 : i32
    %dma_start3A_89 = arith.constant 0 : i32
    %dma_start3A_90 = tpu.memref_slice %arg2[%dma_start3A_88, %dma_start3A_89] : memref<100001x128xf32, #tpu.memory_space<hbm>> -> memref<100001x128xf32, #tpu.memory_space<hbm>>
    tpu.enqueue_indirect_dma source(%dma_start3A_90 : memref<100001x128xf32, #tpu.memory_space<hbm>>) target(%dma_start3A_84 : memref<128x128xf32, #tpu.memory_space<vmem>>) offsets(%dma_start3A_87 : memref<128xi32, #tpu.memory_space<vmem>>) semaphore(%arg7 : memref<!tpu.dma_semaphore, #tpu.memory_space<semaphore_mem>>)
    %add3A_91 = arith.constant 2 : i32
    %add3A_92 = arith.addi %add3A_91, %mul3A_22 : i32
    %dma_start3A_93 = arith.constant 128 : i32
    %dma_start3A_94 = arith.constant 0 : i32
    %dma_start3A_95 = tpu.memref_slice %arg6[%rem3A_78, %dma_start3A_93, %dma_start3A_94] : memref<3x256x128xf32, #tpu.memory_space<vmem>> -> memref<1x128x128xf32, #tpu.memory_space<vmem>>
    %dma_start3A_96 = tpu.memref_squeeze %dma_start3A_95 : memref<1x128x128xf32, #tpu.memory_space<vmem>> -> memref<128x128xf32, #tpu.memory_space<vmem>>
    %dma_start3A_97 = arith.constant 128 : i32
    %dma_start3A_98 = tpu.memref_slice %arg5[%add3A_92, %dma_start3A_97] : memref<50x256xi32, #tpu.memory_space<vmem>> -> memref<1x128xi32, #tpu.memory_space<vmem>>
    %dma_start3A_99 = tpu.memref_squeeze %dma_start3A_98 : memref<1x128xi32, #tpu.memory_space<vmem>> -> memref<128xi32, #tpu.memory_space<vmem>>
    %dma_start3A_100 = arith.constant 0 : i32
    %dma_start3A_101 = arith.constant 0 : i32
    %dma_start3A_102 = tpu.memref_slice %arg2[%dma_start3A_100, %dma_start3A_101] : memref<100001x128xf32, #tpu.memory_space<hbm>> -> memref<100001x128xf32, #tpu.memory_space<hbm>>
    tpu.enqueue_indirect_dma source(%dma_start3A_102 : memref<100001x128xf32, #tpu.memory_space<hbm>>) target(%dma_start3A_96 : memref<128x128xf32, #tpu.memory_space<vmem>>) offsets(%dma_start3A_99 : memref<128xi32, #tpu.memory_space<vmem>>) semaphore(%arg7 : memref<!tpu.dma_semaphore, #tpu.memory_space<semaphore_mem>>)
    %rem3A_103 = arith.constant 0 : i32
    %rem3A_104 = arith.constant 3 : i32
    %rem3A_105 = arith.remsi %rem3A_103, %rem3A_104 : i32
    %add3A_106 = arith.constant 0 : i32
    %add3A_107 = arith.addi %add3A_106, %mul3A_22 : i32
    %dma_wait3A = arith.constant 0 : i32
    %dma_wait3A_108 = arith.constant 0 : i32
    %dma_wait3A_109 = tpu.memref_slice %arg6[%rem3A_105, %dma_wait3A, %dma_wait3A_108] : memref<3x256x128xf32, #tpu.memory_space<vmem>> -> memref<1x128x128xf32, #tpu.memory_space<vmem>>
    %dma_wait3A_110 = tpu.memref_squeeze %dma_wait3A_109 : memref<1x128x128xf32, #tpu.memory_space<vmem>> -> memref<128x128xf32, #tpu.memory_space<vmem>>
    %dma_wait3A_111 = arith.constant 0 : i32
    %dma_wait3A_112 = tpu.memref_slice %arg5[%add3A_107, %dma_wait3A_111] : memref<50x256xi32, #tpu.memory_space<vmem>> -> memref<1x128xi32, #tpu.memory_space<vmem>>
    %dma_wait3A_113 = tpu.memref_squeeze %dma_wait3A_112 : memref<1x128xi32, #tpu.memory_space<vmem>> -> memref<128xi32, #tpu.memory_space<vmem>>
    %dma_wait3A_114 = arith.constant 0 : i32
    %dma_wait3A_115 = arith.constant 0 : i32
    %dma_wait3A_116 = tpu.memref_slice %arg2[%dma_wait3A_114, %dma_wait3A_115] : memref<100001x128xf32, #tpu.memory_space<hbm>> -> memref<100001x128xf32, #tpu.memory_space<hbm>>
    tpu.wait_indirect_dma semaphore(%arg7 : memref<!tpu.dma_semaphore, #tpu.memory_space<semaphore_mem>>) src(%dma_wait3A_116 : memref<100001x128xf32, #tpu.memory_space<hbm>>) dst(%dma_wait3A_110 : memref<128x128xf32, #tpu.memory_space<vmem>>)
    %add3A_117 = arith.constant 0 : i32
    %add3A_118 = arith.addi %add3A_117, %mul3A_22 : i32
    %dma_wait3A_119 = arith.constant 128 : i32
    %dma_wait3A_120 = arith.constant 0 : i32
    %dma_wait3A_121 = tpu.memref_slice %arg6[%rem3A_105, %dma_wait3A_119, %dma_wait3A_120] : memref<3x256x128xf32, #tpu.memory_space<vmem>> -> memref<1x128x128xf32, #tpu.memory_space<vmem>>
    %dma_wait3A_122 = tpu.memref_squeeze %dma_wait3A_121 : memref<1x128x128xf32, #tpu.memory_space<vmem>> -> memref<128x128xf32, #tpu.memory_space<vmem>>
    %dma_wait3A_123 = arith.constant 128 : i32
    %dma_wait3A_124 = tpu.memref_slice %arg5[%add3A_118, %dma_wait3A_123] : memref<50x256xi32, #tpu.memory_space<vmem>> -> memref<1x128xi32, #tpu.memory_space<vmem>>
    %dma_wait3A_125 = tpu.memref_squeeze %dma_wait3A_124 : memref<1x128xi32, #tpu.memory_space<vmem>> -> memref<128xi32, #tpu.memory_space<vmem>>
    %dma_wait3A_126 = arith.constant 0 : i32
    %dma_wait3A_127 = arith.constant 0 : i32
    %dma_wait3A_128 = tpu.memref_slice %arg2[%dma_wait3A_126, %dma_wait3A_127] : memref<100001x128xf32, #tpu.memory_space<hbm>> -> memref<100001x128xf32, #tpu.memory_space<hbm>>
    tpu.wait_indirect_dma semaphore(%arg7 : memref<!tpu.dma_semaphore, #tpu.memory_space<semaphore_mem>>) src(%dma_wait3A_128 : memref<100001x128xf32, #tpu.memory_space<hbm>>) dst(%dma_wait3A_122 : memref<128x128xf32, #tpu.memory_space<vmem>>)
    %rem3A_129 = arith.constant 0 : i32
    %rem3A_130 = arith.constant 3 : i32
    %rem3A_131 = arith.remsi %rem3A_129, %rem3A_130 : i32
    %add3A_132 = arith.constant 0 : i32
    %add3A_133 = arith.addi %mul3A_22, %add3A_132 : i32
    %dma_start3A_134 = arith.constant 0 : i32
    %dma_start3A_135 = arith.constant 0 : i32
    %dma_start3A_136 = tpu.memref_slice %arg6[%rem3A_131, %dma_start3A_134, %dma_start3A_135] : memref<3x256x128xf32, #tpu.memory_space<vmem>> -> memref<1x256x128xf32, #tpu.memory_space<vmem>>
    %dma_start3A_137 = tpu.memref_squeeze %dma_start3A_136 : memref<1x256x128xf32, #tpu.memory_space<vmem>> -> memref<256x128xf32, #tpu.memory_space<vmem>>
    %dma_start3A_138 = arith.constant 0 : i32
    %dma_start3A_139 = tpu.memref_slice %arg4[%add3A_133, %mul3A_20, %dma_start3A_138] : memref<50x4096x128xf32, #tpu.memory_space<hbm>> -> memref<1x256x128xf32, #tpu.memory_space<hbm>>
    %dma_start3A_140 = tpu.memref_squeeze %dma_start3A_139 : memref<1x256x128xf32, #tpu.memory_space<hbm>> -> memref<256x128xf32, #tpu.memory_space<hbm>>
    %dma_start3A_141 = arith.constant 0 : i32
    %dma_start3A_142 = tpu.memref_slice %arg4[%add3A_133, %mul3A_20, %dma_start3A_141] : memref<50x4096x128xf32, #tpu.memory_space<hbm>> -> memref<1x256x128xf32, #tpu.memory_space<hbm>>
    %dma_start3A_143 = tpu.memref_squeeze %dma_start3A_142 : memref<1x256x128xf32, #tpu.memory_space<hbm>> -> memref<256x128xf32, #tpu.memory_space<hbm>>
    %dma_start3A_144 = arith.constant 0 : i32
    %dma_start3A_145 = arith.constant 0 : i32
    %dma_start3A_146 = tpu.memref_slice %arg6[%rem3A_131, %dma_start3A_144, %dma_start3A_145] : memref<3x256x128xf32, #tpu.memory_space<vmem>> -> memref<1x256x128xf32, #tpu.memory_space<vmem>>
    %dma_start3A_147 = tpu.memref_squeeze %dma_start3A_146 : memref<1x256x128xf32, #tpu.memory_space<vmem>> -> memref<256x128xf32, #tpu.memory_space<vmem>>
    tpu.enqueue_dma source(%dma_start3A_147 : memref<256x128xf32, #tpu.memory_space<vmem>>) target(%dma_start3A_143 : memref<256x128xf32, #tpu.memory_space<hbm>>) target_semaphore(%arg8 : memref<!tpu.dma_semaphore, #tpu.memory_space<semaphore_mem>>)
    %scan3A = arith.constant 0 : i32
    %scan3A_148 = arith.constant 1 : i32
    %scan3A_149 = arith.constant 22 : i32
    %scan3A_150 = arith.addi %scan3A_148, %scan3A_149 : i32
    %scan3A_151 = arith.constant 1 : i32
    scf.for %scan3A_302 = %scan3A_148 to %scan3A_150 step %scan3A_151  : i32 {
      %sub3A_303 = arith.constant 1 : i32
      %sub3A_304 = arith.subi %scan3A_302, %sub3A_303 : i32
      %rem3A_305 = arith.constant 3 : i32
      %rem3A_306 = arith.remsi %sub3A_304, %rem3A_305 : i32
      %add3A_307 = arith.addi %mul3A_22, %sub3A_304 : i32
      %dma_wait3A_308 = arith.constant 0 : i32
      %dma_wait3A_309 = arith.constant 0 : i32
      %dma_wait3A_310 = tpu.memref_slice %arg6[%rem3A_306, %dma_wait3A_308, %dma_wait3A_309] : memref<3x256x128xf32, #tpu.memory_space<vmem>> -> memref<1x256x128xf32, #tpu.memory_space<vmem>>
      %dma_wait3A_311 = tpu.memref_squeeze %dma_wait3A_310 : memref<1x256x128xf32, #tpu.memory_space<vmem>> -> memref<256x128xf32, #tpu.memory_space<vmem>>
      %dma_wait3A_312 = arith.constant 0 : i32
      %dma_wait3A_313 = tpu.memref_slice %arg4[%add3A_307, %mul3A_20, %dma_wait3A_312] : memref<50x4096x128xf32, #tpu.memory_space<hbm>> -> memref<1x256x128xf32, #tpu.memory_space<hbm>>
      %dma_wait3A_314 = tpu.memref_squeeze %dma_wait3A_313 : memref<1x256x128xf32, #tpu.memory_space<hbm>> -> memref<256x128xf32, #tpu.memory_space<hbm>>
      %dma_wait3A_315 = arith.constant 0 : i32
      %dma_wait3A_316 = tpu.memref_slice %arg4[%add3A_307, %mul3A_20, %dma_wait3A_315] : memref<50x4096x128xf32, #tpu.memory_space<hbm>> -> memref<1x256x128xf32, #tpu.memory_space<hbm>>
      %dma_wait3A_317 = tpu.memref_squeeze %dma_wait3A_316 : memref<1x256x128xf32, #tpu.memory_space<hbm>> -> memref<256x128xf32, #tpu.memory_space<hbm>>
      %dma_wait3A_318 = arith.constant 0 : i32
      %dma_wait3A_319 = arith.constant 0 : i32
      %dma_wait3A_320 = tpu.memref_slice %arg6[%rem3A_306, %dma_wait3A_318, %dma_wait3A_319] : memref<3x256x128xf32, #tpu.memory_space<vmem>> -> memref<1x256x128xf32, #tpu.memory_space<vmem>>
      %dma_wait3A_321 = tpu.memref_squeeze %dma_wait3A_320 : memref<1x256x128xf32, #tpu.memory_space<vmem>> -> memref<256x128xf32, #tpu.memory_space<vmem>>
      tpu.wait_dma2 semaphore(%arg8 : memref<!tpu.dma_semaphore, #tpu.memory_space<semaphore_mem>>) src(%dma_wait3A_321 : memref<256x128xf32, #tpu.memory_space<vmem>>) dst(%dma_wait3A_317 : memref<256x128xf32, #tpu.memory_space<hbm>>)
      %add3A_322 = arith.constant 2 : i32
      %add3A_323 = arith.addi %scan3A_302, %add3A_322 : i32
      %rem3A_324 = arith.constant 3 : i32
      %rem3A_325 = arith.remsi %add3A_323, %rem3A_324 : i32
      %add3A_326 = arith.addi %add3A_323, %mul3A_22 : i32
      %dma_start3A_327 = arith.constant 0 : i32
      %dma_start3A_328 = arith.constant 0 : i32
      %dma_start3A_329 = tpu.memref_slice %arg6[%rem3A_325, %dma_start3A_327, %dma_start3A_328] : memref<3x256x128xf32, #tpu.memory_space<vmem>> -> memref<1x128x128xf32, #tpu.memory_space<vmem>>
      %dma_start3A_330 = tpu.memref_squeeze %dma_start3A_329 : memref<1x128x128xf32, #tpu.memory_space<vmem>> -> memref<128x128xf32, #tpu.memory_space<vmem>>
      %dma_start3A_331 = arith.constant 0 : i32
      %dma_start3A_332 = tpu.memref_slice %arg5[%add3A_326, %dma_start3A_331] : memref<50x256xi32, #tpu.memory_space<vmem>> -> memref<1x128xi32, #tpu.memory_space<vmem>>
      %dma_start3A_333 = tpu.memref_squeeze %dma_start3A_332 : memref<1x128xi32, #tpu.memory_space<vmem>> -> memref<128xi32, #tpu.memory_space<vmem>>
      %dma_start3A_334 = arith.constant 0 : i32
      %dma_start3A_335 = arith.constant 0 : i32
      %dma_start3A_336 = tpu.memref_slice %arg2[%dma_start3A_334, %dma_start3A_335] : memref<100001x128xf32, #tpu.memory_space<hbm>> -> memref<100001x128xf32, #tpu.memory_space<hbm>>
      tpu.enqueue_indirect_dma source(%dma_start3A_336 : memref<100001x128xf32, #tpu.memory_space<hbm>>) target(%dma_start3A_330 : memref<128x128xf32, #tpu.memory_space<vmem>>) offsets(%dma_start3A_333 : memref<128xi32, #tpu.memory_space<vmem>>) semaphore(%arg7 : memref<!tpu.dma_semaphore, #tpu.memory_space<semaphore_mem>>)
      %add3A_337 = arith.addi %add3A_323, %mul3A_22 : i32
      %dma_start3A_338 = arith.constant 128 : i32
      %dma_start3A_339 = arith.constant 0 : i32
      %dma_start3A_340 = tpu.memref_slice %arg6[%rem3A_325, %dma_start3A_338, %dma_start3A_339] : memref<3x256x128xf32, #tpu.memory_space<vmem>> -> memref<1x128x128xf32, #tpu.memory_space<vmem>>
      %dma_start3A_341 = tpu.memref_squeeze %dma_start3A_340 : memref<1x128x128xf32, #tpu.memory_space<vmem>> -> memref<128x128xf32, #tpu.memory_space<vmem>>
      %dma_start3A_342 = arith.constant 128 : i32
      %dma_start3A_343 = tpu.memref_slice %arg5[%add3A_337, %dma_start3A_342] : memref<50x256xi32, #tpu.memory_space<vmem>> -> memref<1x128xi32, #tpu.memory_space<vmem>>
      %dma_start3A_344 = tpu.memref_squeeze %dma_start3A_343 : memref<1x128xi32, #tpu.memory_space<vmem>> -> memref<128xi32, #tpu.memory_space<vmem>>
      %dma_start3A_345 = arith.constant 0 : i32
      %dma_start3A_346 = arith.constant 0 : i32
      %dma_start3A_347 = tpu.memref_slice %arg2[%dma_start3A_345, %dma_start3A_346] : memref<100001x128xf32, #tpu.memory_space<hbm>> -> memref<100001x128xf32, #tpu.memory_space<hbm>>
      tpu.enqueue_indirect_dma source(%dma_start3A_347 : memref<100001x128xf32, #tpu.memory_space<hbm>>) target(%dma_start3A_341 : memref<128x128xf32, #tpu.memory_space<vmem>>) offsets(%dma_start3A_344 : memref<128xi32, #tpu.memory_space<vmem>>) semaphore(%arg7 : memref<!tpu.dma_semaphore, #tpu.memory_space<semaphore_mem>>)
      %rem3A_348 = arith.constant 3 : i32
      %rem3A_349 = arith.remsi %scan3A_302, %rem3A_348 : i32
      %add3A_350 = arith.addi %scan3A_302, %mul3A_22 : i32
      %dma_wait3A_351 = arith.constant 0 : i32
      %dma_wait3A_352 = arith.constant 0 : i32
      %dma_wait3A_353 = tpu.memref_slice %arg6[%rem3A_349, %dma_wait3A_351, %dma_wait3A_352] : memref<3x256x128xf32, #tpu.memory_space<vmem>> -> memref<1x128x128xf32, #tpu.memory_space<vmem>>
      %dma_wait3A_354 = tpu.memref_squeeze %dma_wait3A_353 : memref<1x128x128xf32, #tpu.memory_space<vmem>> -> memref<128x128xf32, #tpu.memory_space<vmem>>
      %dma_wait3A_355 = arith.constant 0 : i32
      %dma_wait3A_356 = tpu.memref_slice %arg5[%add3A_350, %dma_wait3A_355] : memref<50x256xi32, #tpu.memory_space<vmem>> -> memref<1x128xi32, #tpu.memory_space<vmem>>
      %dma_wait3A_357 = tpu.memref_squeeze %dma_wait3A_356 : memref<1x128xi32, #tpu.memory_space<vmem>> -> memref<128xi32, #tpu.memory_space<vmem>>
      %dma_wait3A_358 = arith.constant 0 : i32
      %dma_wait3A_359 = arith.constant 0 : i32
      %dma_wait3A_360 = tpu.memref_slice %arg2[%dma_wait3A_358, %dma_wait3A_359] : memref<100001x128xf32, #tpu.memory_space<hbm>> -> memref<100001x128xf32, #tpu.memory_space<hbm>>
      tpu.wait_indirect_dma semaphore(%arg7 : memref<!tpu.dma_semaphore, #tpu.memory_space<semaphore_mem>>) src(%dma_wait3A_360 : memref<100001x128xf32, #tpu.memory_space<hbm>>) dst(%dma_wait3A_354 : memref<128x128xf32, #tpu.memory_space<vmem>>)
      %add3A_361 = arith.addi %scan3A_302, %mul3A_22 : i32
      %dma_wait3A_362 = arith.constant 128 : i32
      %dma_wait3A_363 = arith.constant 0 : i32
      %dma_wait3A_364 = tpu.memref_slice %arg6[%rem3A_349, %dma_wait3A_362, %dma_wait3A_363] : memref<3x256x128xf32, #tpu.memory_space<vmem>> -> memref<1x128x128xf32, #tpu.memory_space<vmem>>
      %dma_wait3A_365 = tpu.memref_squeeze %dma_wait3A_364 : memref<1x128x128xf32, #tpu.memory_space<vmem>> -> memref<128x128xf32, #tpu.memory_space<vmem>>
      %dma_wait3A_366 = arith.constant 128 : i32
      %dma_wait3A_367 = tpu.memref_slice %arg5[%add3A_361, %dma_wait3A_366] : memref<50x256xi32, #tpu.memory_space<vmem>> -> memref<1x128xi32, #tpu.memory_space<vmem>>
      %dma_wait3A_368 = tpu.memref_squeeze %dma_wait3A_367 : memref<1x128xi32, #tpu.memory_space<vmem>> -> memref<128xi32, #tpu.memory_space<vmem>>
      %dma_wait3A_369 = arith.constant 0 : i32
      %dma_wait3A_370 = arith.constant 0 : i32
      %dma_wait3A_371 = tpu.memref_slice %arg2[%dma_wait3A_369, %dma_wait3A_370] : memref<100001x128xf32, #tpu.memory_space<hbm>> -> memref<100001x128xf32, #tpu.memory_space<hbm>>
      tpu.wait_indirect_dma semaphore(%arg7 : memref<!tpu.dma_semaphore, #tpu.memory_space<semaphore_mem>>) src(%dma_wait3A_371 : memref<100001x128xf32, #tpu.memory_space<hbm>>) dst(%dma_wait3A_365 : memref<128x128xf32, #tpu.memory_space<vmem>>)
      %rem3A_372 = arith.constant 3 : i32
      %rem3A_373 = arith.remsi %scan3A_302, %rem3A_372 : i32
      %add3A_374 = arith.addi %mul3A_22, %scan3A_302 : i32
      %dma_start3A_375 = arith.constant 0 : i32
      %dma_start3A_376 = arith.constant 0 : i32
      %dma_start3A_377 = tpu.memref_slice %arg6[%rem3A_373, %dma_start3A_375, %dma_start3A_376] : memref<3x256x128xf32, #tpu.memory_space<vmem>> -> memref<1x256x128xf32, #tpu.memory_space<vmem>>
      %dma_start3A_378 = tpu.memref_squeeze %dma_start3A_377 : memref<1x256x128xf32, #tpu.memory_space<vmem>> -> memref<256x128xf32, #tpu.memory_space<vmem>>
      %dma_start3A_379 = arith.constant 0 : i32
      %dma_start3A_380 = tpu.memref_slice %arg4[%add3A_374, %mul3A_20, %dma_start3A_379] : memref<50x4096x128xf32, #tpu.memory_space<hbm>> -> memref<1x256x128xf32, #tpu.memory_space<hbm>>
      %dma_start3A_381 = tpu.memref_squeeze %dma_start3A_380 : memref<1x256x128xf32, #tpu.memory_space<hbm>> -> memref<256x128xf32, #tpu.memory_space<hbm>>
      %dma_start3A_382 = arith.constant 0 : i32
      %dma_start3A_383 = tpu.memref_slice %arg4[%add3A_374, %mul3A_20, %dma_start3A_382] : memref<50x4096x128xf32, #tpu.memory_space<hbm>> -> memref<1x256x128xf32, #tpu.memory_space<hbm>>
      %dma_start3A_384 = tpu.memref_squeeze %dma_start3A_383 : memref<1x256x128xf32, #tpu.memory_space<hbm>> -> memref<256x128xf32, #tpu.memory_space<hbm>>
      %dma_start3A_385 = arith.constant 0 : i32
      %dma_start3A_386 = arith.constant 0 : i32
      %dma_start3A_387 = tpu.memref_slice %arg6[%rem3A_373, %dma_start3A_385, %dma_start3A_386] : memref<3x256x128xf32, #tpu.memory_space<vmem>> -> memref<1x256x128xf32, #tpu.memory_space<vmem>>
      %dma_start3A_388 = tpu.memref_squeeze %dma_start3A_387 : memref<1x256x128xf32, #tpu.memory_space<vmem>> -> memref<256x128xf32, #tpu.memory_space<vmem>>
      tpu.enqueue_dma source(%dma_start3A_388 : memref<256x128xf32, #tpu.memory_space<vmem>>) target(%dma_start3A_384 : memref<256x128xf32, #tpu.memory_space<hbm>>) target_semaphore(%arg8 : memref<!tpu.dma_semaphore, #tpu.memory_space<semaphore_mem>>)
    }
    %scan3A_152 = arith.constant 22 : i32
    %rem3A_153 = arith.constant 22 : i32
    %rem3A_154 = arith.constant 3 : i32
    %rem3A_155 = arith.remsi %rem3A_153, %rem3A_154 : i32
    %add3A_156 = arith.constant 22 : i32
    %add3A_157 = arith.addi %mul3A_22, %add3A_156 : i32
    %dma_wait3A_158 = arith.constant 0 : i32
    %dma_wait3A_159 = arith.constant 0 : i32
    %dma_wait3A_160 = tpu.memref_slice %arg6[%rem3A_155, %dma_wait3A_158, %dma_wait3A_159] : memref<3x256x128xf32, #tpu.memory_space<vmem>> -> memref<1x256x128xf32, #tpu.memory_space<vmem>>
    %dma_wait3A_161 = tpu.memref_squeeze %dma_wait3A_160 : memref<1x256x128xf32, #tpu.memory_space<vmem>> -> memref<256x128xf32, #tpu.memory_space<vmem>>
    %dma_wait3A_162 = arith.constant 0 : i32
    %dma_wait3A_163 = tpu.memref_slice %arg4[%add3A_157, %mul3A_20, %dma_wait3A_162] : memref<50x4096x128xf32, #tpu.memory_space<hbm>> -> memref<1x256x128xf32, #tpu.memory_space<hbm>>
    %dma_wait3A_164 = tpu.memref_squeeze %dma_wait3A_163 : memref<1x256x128xf32, #tpu.memory_space<hbm>> -> memref<256x128xf32, #tpu.memory_space<hbm>>
    %dma_wait3A_165 = arith.constant 0 : i32
    %dma_wait3A_166 = tpu.memref_slice %arg4[%add3A_157, %mul3A_20, %dma_wait3A_165] : memref<50x4096x128xf32, #tpu.memory_space<hbm>> -> memref<1x256x128xf32, #tpu.memory_space<hbm>>
    %dma_wait3A_167 = tpu.memref_squeeze %dma_wait3A_166 : memref<1x256x128xf32, #tpu.memory_space<hbm>> -> memref<256x128xf32, #tpu.memory_space<hbm>>
    %dma_wait3A_168 = arith.constant 0 : i32
    %dma_wait3A_169 = arith.constant 0 : i32
    %dma_wait3A_170 = tpu.memref_slice %arg6[%rem3A_155, %dma_wait3A_168, %dma_wait3A_169] : memref<3x256x128xf32, #tpu.memory_space<vmem>> -> memref<1x256x128xf32, #tpu.memory_space<vmem>>
    %dma_wait3A_171 = tpu.memref_squeeze %dma_wait3A_170 : memref<1x256x128xf32, #tpu.memory_space<vmem>> -> memref<256x128xf32, #tpu.memory_space<vmem>>
    tpu.wait_dma2 semaphore(%arg8 : memref<!tpu.dma_semaphore, #tpu.memory_space<semaphore_mem>>) src(%dma_wait3A_171 : memref<256x128xf32, #tpu.memory_space<vmem>>) dst(%dma_wait3A_167 : memref<256x128xf32, #tpu.memory_space<hbm>>)
    %rem3A_172 = arith.constant 23 : i32
    %rem3A_173 = arith.constant 3 : i32
    %rem3A_174 = arith.remsi %rem3A_172, %rem3A_173 : i32
    %add3A_175 = arith.constant 23 : i32
    %add3A_176 = arith.addi %add3A_175, %mul3A_22 : i32
    %dma_wait3A_177 = arith.constant 0 : i32
    %dma_wait3A_178 = arith.constant 0 : i32
    %dma_wait3A_179 = tpu.memref_slice %arg6[%rem3A_174, %dma_wait3A_177, %dma_wait3A_178] : memref<3x256x128xf32, #tpu.memory_space<vmem>> -> memref<1x128x128xf32, #tpu.memory_space<vmem>>
    %dma_wait3A_180 = tpu.memref_squeeze %dma_wait3A_179 : memref<1x128x128xf32, #tpu.memory_space<vmem>> -> memref<128x128xf32, #tpu.memory_space<vmem>>
    %dma_wait3A_181 = arith.constant 0 : i32
    %dma_wait3A_182 = tpu.memref_slice %arg5[%add3A_176, %dma_wait3A_181] : memref<50x256xi32, #tpu.memory_space<vmem>> -> memref<1x128xi32, #tpu.memory_space<vmem>>
    %dma_wait3A_183 = tpu.memref_squeeze %dma_wait3A_182 : memref<1x128xi32, #tpu.memory_space<vmem>> -> memref<128xi32, #tpu.memory_space<vmem>>
    %dma_wait3A_184 = arith.constant 0 : i32
    %dma_wait3A_185 = arith.constant 0 : i32
    %dma_wait3A_186 = tpu.memref_slice %arg2[%dma_wait3A_184, %dma_wait3A_185] : memref<100001x128xf32, #tpu.memory_space<hbm>> -> memref<100001x128xf32, #tpu.memory_space<hbm>>
    tpu.wait_indirect_dma semaphore(%arg7 : memref<!tpu.dma_semaphore, #tpu.memory_space<semaphore_mem>>) src(%dma_wait3A_186 : memref<100001x128xf32, #tpu.memory_space<hbm>>) dst(%dma_wait3A_180 : memref<128x128xf32, #tpu.memory_space<vmem>>)
    %add3A_187 = arith.constant 23 : i32
    %add3A_188 = arith.addi %add3A_187, %mul3A_22 : i32
    %dma_wait3A_189 = arith.constant 128 : i32
    %dma_wait3A_190 = arith.constant 0 : i32
    %dma_wait3A_191 = tpu.memref_slice %arg6[%rem3A_174, %dma_wait3A_189, %dma_wait3A_190] : memref<3x256x128xf32, #tpu.memory_space<vmem>> -> memref<1x128x128xf32, #tpu.memory_space<vmem>>
    %dma_wait3A_192 = tpu.memref_squeeze %dma_wait3A_191 : memref<1x128x128xf32, #tpu.memory_space<vmem>> -> memref<128x128xf32, #tpu.memory_space<vmem>>
    %dma_wait3A_193 = arith.constant 128 : i32
    %dma_wait3A_194 = tpu.memref_slice %arg5[%add3A_188, %dma_wait3A_193] : memref<50x256xi32, #tpu.memory_space<vmem>> -> memref<1x128xi32, #tpu.memory_space<vmem>>
    %dma_wait3A_195 = tpu.memref_squeeze %dma_wait3A_194 : memref<1x128xi32, #tpu.memory_space<vmem>> -> memref<128xi32, #tpu.memory_space<vmem>>
    %dma_wait3A_196 = arith.constant 0 : i32
    %dma_wait3A_197 = arith.constant 0 : i32
    %dma_wait3A_198 = tpu.memref_slice %arg2[%dma_wait3A_196, %dma_wait3A_197] : memref<100001x128xf32, #tpu.memory_space<hbm>> -> memref<100001x128xf32, #tpu.memory_space<hbm>>
    tpu.wait_indirect_dma semaphore(%arg7 : memref<!tpu.dma_semaphore, #tpu.memory_space<semaphore_mem>>) src(%dma_wait3A_198 : memref<100001x128xf32, #tpu.memory_space<hbm>>) dst(%dma_wait3A_192 : memref<128x128xf32, #tpu.memory_space<vmem>>)
    %rem3A_199 = arith.constant 23 : i32
    %rem3A_200 = arith.constant 3 : i32
    %rem3A_201 = arith.remsi %rem3A_199, %rem3A_200 : i32
    %add3A_202 = arith.constant 23 : i32
    %add3A_203 = arith.addi %mul3A_22, %add3A_202 : i32
    %dma_start3A_204 = arith.constant 0 : i32
    %dma_start3A_205 = arith.constant 0 : i32
    %dma_start3A_206 = tpu.memref_slice %arg6[%rem3A_201, %dma_start3A_204, %dma_start3A_205] : memref<3x256x128xf32, #tpu.memory_space<vmem>> -> memref<1x256x128xf32, #tpu.memory_space<vmem>>
    %dma_start3A_207 = tpu.memref_squeeze %dma_start3A_206 : memref<1x256x128xf32, #tpu.memory_space<vmem>> -> memref<256x128xf32, #tpu.memory_space<vmem>>
    %dma_start3A_208 = arith.constant 0 : i32
    %dma_start3A_209 = tpu.memref_slice %arg4[%add3A_203, %mul3A_20, %dma_start3A_208] : memref<50x4096x128xf32, #tpu.memory_space<hbm>> -> memref<1x256x128xf32, #tpu.memory_space<hbm>>
    %dma_start3A_210 = tpu.memref_squeeze %dma_start3A_209 : memref<1x256x128xf32, #tpu.memory_space<hbm>> -> memref<256x128xf32, #tpu.memory_space<hbm>>
    %dma_start3A_211 = arith.constant 0 : i32
    %dma_start3A_212 = tpu.memref_slice %arg4[%add3A_203, %mul3A_20, %dma_start3A_211] : memref<50x4096x128xf32, #tpu.memory_space<hbm>> -> memref<1x256x128xf32, #tpu.memory_space<hbm>>
    %dma_start3A_213 = tpu.memref_squeeze %dma_start3A_212 : memref<1x256x128xf32, #tpu.memory_space<hbm>> -> memref<256x128xf32, #tpu.memory_space<hbm>>
    %dma_start3A_214 = arith.constant 0 : i32
    %dma_start3A_215 = arith.constant 0 : i32
    %dma_start3A_216 = tpu.memref_slice %arg6[%rem3A_201, %dma_start3A_214, %dma_start3A_215] : memref<3x256x128xf32, #tpu.memory_space<vmem>> -> memref<1x256x128xf32, #tpu.memory_space<vmem>>
    %dma_start3A_217 = tpu.memref_squeeze %dma_start3A_216 : memref<1x256x128xf32, #tpu.memory_space<vmem>> -> memref<256x128xf32, #tpu.memory_space<vmem>>
    tpu.enqueue_dma source(%dma_start3A_217 : memref<256x128xf32, #tpu.memory_space<vmem>>) target(%dma_start3A_213 : memref<256x128xf32, #tpu.memory_space<hbm>>) target_semaphore(%arg8 : memref<!tpu.dma_semaphore, #tpu.memory_space<semaphore_mem>>)
    %rem3A_218 = arith.constant 23 : i32
    %rem3A_219 = arith.constant 3 : i32
    %rem3A_220 = arith.remsi %rem3A_218, %rem3A_219 : i32
    %add3A_221 = arith.constant 23 : i32
    %add3A_222 = arith.addi %mul3A_22, %add3A_221 : i32
    %dma_wait3A_223 = arith.constant 0 : i32
    %dma_wait3A_224 = arith.constant 0 : i32
    %dma_wait3A_225 = tpu.memref_slice %arg6[%rem3A_220, %dma_wait3A_223, %dma_wait3A_224] : memref<3x256x128xf32, #tpu.memory_space<vmem>> -> memref<1x256x128xf32, #tpu.memory_space<vmem>>
    %dma_wait3A_226 = tpu.memref_squeeze %dma_wait3A_225 : memref<1x256x128xf32, #tpu.memory_space<vmem>> -> memref<256x128xf32, #tpu.memory_space<vmem>>
    %dma_wait3A_227 = arith.constant 0 : i32
    %dma_wait3A_228 = tpu.memref_slice %arg4[%add3A_222, %mul3A_20, %dma_wait3A_227] : memref<50x4096x128xf32, #tpu.memory_space<hbm>> -> memref<1x256x128xf32, #tpu.memory_space<hbm>>
    %dma_wait3A_229 = tpu.memref_squeeze %dma_wait3A_228 : memref<1x256x128xf32, #tpu.memory_space<hbm>> -> memref<256x128xf32, #tpu.memory_space<hbm>>
    %dma_wait3A_230 = arith.constant 0 : i32
    %dma_wait3A_231 = tpu.memref_slice %arg4[%add3A_222, %mul3A_20, %dma_wait3A_230] : memref<50x4096x128xf32, #tpu.memory_space<hbm>> -> memref<1x256x128xf32, #tpu.memory_space<hbm>>
    %dma_wait3A_232 = tpu.memref_squeeze %dma_wait3A_231 : memref<1x256x128xf32, #tpu.memory_space<hbm>> -> memref<256x128xf32, #tpu.memory_space<hbm>>
    %dma_wait3A_233 = arith.constant 0 : i32
    %dma_wait3A_234 = arith.constant 0 : i32
    %dma_wait3A_235 = tpu.memref_slice %arg6[%rem3A_220, %dma_wait3A_233, %dma_wait3A_234] : memref<3x256x128xf32, #tpu.memory_space<vmem>> -> memref<1x256x128xf32, #tpu.memory_space<vmem>>
    %dma_wait3A_236 = tpu.memref_squeeze %dma_wait3A_235 : memref<1x256x128xf32, #tpu.memory_space<vmem>> -> memref<256x128xf32, #tpu.memory_space<vmem>>
    tpu.wait_dma2 semaphore(%arg8 : memref<!tpu.dma_semaphore, #tpu.memory_space<semaphore_mem>>) src(%dma_wait3A_236 : memref<256x128xf32, #tpu.memory_space<vmem>>) dst(%dma_wait3A_232 : memref<256x128xf32, #tpu.memory_space<hbm>>)
    %rem3A_237 = arith.constant 24 : i32
    %rem3A_238 = arith.constant 3 : i32
    %rem3A_239 = arith.remsi %rem3A_237, %rem3A_238 : i32
    %add3A_240 = arith.constant 24 : i32
    %add3A_241 = arith.addi %add3A_240, %mul3A_22 : i32
    %dma_wait3A_242 = arith.constant 0 : i32
    %dma_wait3A_243 = arith.constant 0 : i32
    %dma_wait3A_244 = tpu.memref_slice %arg6[%rem3A_239, %dma_wait3A_242, %dma_wait3A_243] : memref<3x256x128xf32, #tpu.memory_space<vmem>> -> memref<1x128x128xf32, #tpu.memory_space<vmem>>
    %dma_wait3A_245 = tpu.memref_squeeze %dma_wait3A_244 : memref<1x128x128xf32, #tpu.memory_space<vmem>> -> memref<128x128xf32, #tpu.memory_space<vmem>>
    %dma_wait3A_246 = arith.constant 0 : i32
    %dma_wait3A_247 = tpu.memref_slice %arg5[%add3A_241, %dma_wait3A_246] : memref<50x256xi32, #tpu.memory_space<vmem>> -> memref<1x128xi32, #tpu.memory_space<vmem>>
    %dma_wait3A_248 = tpu.memref_squeeze %dma_wait3A_247 : memref<1x128xi32, #tpu.memory_space<vmem>> -> memref<128xi32, #tpu.memory_space<vmem>>
    %dma_wait3A_249 = arith.constant 0 : i32
    %dma_wait3A_250 = arith.constant 0 : i32
    %dma_wait3A_251 = tpu.memref_slice %arg2[%dma_wait3A_249, %dma_wait3A_250] : memref<100001x128xf32, #tpu.memory_space<hbm>> -> memref<100001x128xf32, #tpu.memory_space<hbm>>
    tpu.wait_indirect_dma semaphore(%arg7 : memref<!tpu.dma_semaphore, #tpu.memory_space<semaphore_mem>>) src(%dma_wait3A_251 : memref<100001x128xf32, #tpu.memory_space<hbm>>) dst(%dma_wait3A_245 : memref<128x128xf32, #tpu.memory_space<vmem>>)
    %add3A_252 = arith.constant 24 : i32
    %add3A_253 = arith.addi %add3A_252, %mul3A_22 : i32
    %dma_wait3A_254 = arith.constant 128 : i32
    %dma_wait3A_255 = arith.constant 0 : i32
    %dma_wait3A_256 = tpu.memref_slice %arg6[%rem3A_239, %dma_wait3A_254, %dma_wait3A_255] : memref<3x256x128xf32, #tpu.memory_space<vmem>> -> memref<1x128x128xf32, #tpu.memory_space<vmem>>
    %dma_wait3A_257 = tpu.memref_squeeze %dma_wait3A_256 : memref<1x128x128xf32, #tpu.memory_space<vmem>> -> memref<128x128xf32, #tpu.memory_space<vmem>>
    %dma_wait3A_258 = arith.constant 128 : i32
    %dma_wait3A_259 = tpu.memref_slice %arg5[%add3A_253, %dma_wait3A_258] : memref<50x256xi32, #tpu.memory_space<vmem>> -> memref<1x128xi32, #tpu.memory_space<vmem>>
    %dma_wait3A_260 = tpu.memref_squeeze %dma_wait3A_259 : memref<1x128xi32, #tpu.memory_space<vmem>> -> memref<128xi32, #tpu.memory_space<vmem>>
    %dma_wait3A_261 = arith.constant 0 : i32
    %dma_wait3A_262 = arith.constant 0 : i32
    %dma_wait3A_263 = tpu.memref_slice %arg2[%dma_wait3A_261, %dma_wait3A_262] : memref<100001x128xf32, #tpu.memory_space<hbm>> -> memref<100001x128xf32, #tpu.memory_space<hbm>>
    tpu.wait_indirect_dma semaphore(%arg7 : memref<!tpu.dma_semaphore, #tpu.memory_space<semaphore_mem>>) src(%dma_wait3A_263 : memref<100001x128xf32, #tpu.memory_space<hbm>>) dst(%dma_wait3A_257 : memref<128x128xf32, #tpu.memory_space<vmem>>)
    %rem3A_264 = arith.constant 24 : i32
    %rem3A_265 = arith.constant 3 : i32
    %rem3A_266 = arith.remsi %rem3A_264, %rem3A_265 : i32
    %add3A_267 = arith.constant 24 : i32
    %add3A_268 = arith.addi %mul3A_22, %add3A_267 : i32
    %dma_start3A_269 = arith.constant 0 : i32
    %dma_start3A_270 = arith.constant 0 : i32
    %dma_start3A_271 = tpu.memref_slice %arg6[%rem3A_266, %dma_start3A_269, %dma_start3A_270] : memref<3x256x128xf32, #tpu.memory_space<vmem>> -> memref<1x256x128xf32, #tpu.memory_space<vmem>>
    %dma_start3A_272 = tpu.memref_squeeze %dma_start3A_271 : memref<1x256x128xf32, #tpu.memory_space<vmem>> -> memref<256x128xf32, #tpu.memory_space<vmem>>
    %dma_start3A_273 = arith.constant 0 : i32
    %dma_start3A_274 = tpu.memref_slice %arg4[%add3A_268, %mul3A_20, %dma_start3A_273] : memref<50x4096x128xf32, #tpu.memory_space<hbm>> -> memref<1x256x128xf32, #tpu.memory_space<hbm>>
    %dma_start3A_275 = tpu.memref_squeeze %dma_start3A_274 : memref<1x256x128xf32, #tpu.memory_space<hbm>> -> memref<256x128xf32, #tpu.memory_space<hbm>>
    %dma_start3A_276 = arith.constant 0 : i32
    %dma_start3A_277 = tpu.memref_slice %arg4[%add3A_268, %mul3A_20, %dma_start3A_276] : memref<50x4096x128xf32, #tpu.memory_space<hbm>> -> memref<1x256x128xf32, #tpu.memory_space<hbm>>
    %dma_start3A_278 = tpu.memref_squeeze %dma_start3A_277 : memref<1x256x128xf32, #tpu.memory_space<hbm>> -> memref<256x128xf32, #tpu.memory_space<hbm>>
    %dma_start3A_279 = arith.constant 0 : i32
    %dma_start3A_280 = arith.constant 0 : i32
    %dma_start3A_281 = tpu.memref_slice %arg6[%rem3A_266, %dma_start3A_279, %dma_start3A_280] : memref<3x256x128xf32, #tpu.memory_space<vmem>> -> memref<1x256x128xf32, #tpu.memory_space<vmem>>
    %dma_start3A_282 = tpu.memref_squeeze %dma_start3A_281 : memref<1x256x128xf32, #tpu.memory_space<vmem>> -> memref<256x128xf32, #tpu.memory_space<vmem>>
    tpu.enqueue_dma source(%dma_start3A_282 : memref<256x128xf32, #tpu.memory_space<vmem>>) target(%dma_start3A_278 : memref<256x128xf32, #tpu.memory_space<hbm>>) target_semaphore(%arg8 : memref<!tpu.dma_semaphore, #tpu.memory_space<semaphore_mem>>)
    %rem3A_283 = arith.constant 24 : i32
    %rem3A_284 = arith.constant 3 : i32
    %rem3A_285 = arith.remsi %rem3A_283, %rem3A_284 : i32
    %add3A_286 = arith.constant 24 : i32
    %add3A_287 = arith.addi %mul3A_22, %add3A_286 : i32
    %dma_wait3A_288 = arith.constant 0 : i32
    %dma_wait3A_289 = arith.constant 0 : i32
    %dma_wait3A_290 = tpu.memref_slice %arg6[%rem3A_285, %dma_wait3A_288, %dma_wait3A_289] : memref<3x256x128xf32, #tpu.memory_space<vmem>> -> memref<1x256x128xf32, #tpu.memory_space<vmem>>
    %dma_wait3A_291 = tpu.memref_squeeze %dma_wait3A_290 : memref<1x256x128xf32, #tpu.memory_space<vmem>> -> memref<256x128xf32, #tpu.memory_space<vmem>>
    %dma_wait3A_292 = arith.constant 0 : i32
    %dma_wait3A_293 = tpu.memref_slice %arg4[%add3A_287, %mul3A_20, %dma_wait3A_292] : memref<50x4096x128xf32, #tpu.memory_space<hbm>> -> memref<1x256x128xf32, #tpu.memory_space<hbm>>
    %dma_wait3A_294 = tpu.memref_squeeze %dma_wait3A_293 : memref<1x256x128xf32, #tpu.memory_space<hbm>> -> memref<256x128xf32, #tpu.memory_space<hbm>>
    %dma_wait3A_295 = arith.constant 0 : i32
    %dma_wait3A_296 = tpu.memref_slice %arg4[%add3A_287, %mul3A_20, %dma_wait3A_295] : memref<50x4096x128xf32, #tpu.memory_space<hbm>> -> memref<1x256x128xf32, #tpu.memory_space<hbm>>
    %dma_wait3A_297 = tpu.memref_squeeze %dma_wait3A_296 : memref<1x256x128xf32, #tpu.memory_space<hbm>> -> memref<256x128xf32, #tpu.memory_space<hbm>>
    %dma_wait3A_298 = arith.constant 0 : i32
    %dma_wait3A_299 = arith.constant 0 : i32
    %dma_wait3A_300 = tpu.memref_slice %arg6[%rem3A_285, %dma_wait3A_298, %dma_wait3A_299] : memref<3x256x128xf32, #tpu.memory_space<vmem>> -> memref<1x256x128xf32, #tpu.memory_space<vmem>>
    %dma_wait3A_301 = tpu.memref_squeeze %dma_wait3A_300 : memref<1x256x128xf32, #tpu.memory_space<vmem>> -> memref<256x128xf32, #tpu.memory_space<vmem>>
    tpu.wait_dma2 semaphore(%arg8 : memref<!tpu.dma_semaphore, #tpu.memory_space<semaphore_mem>>) src(%dma_wait3A_301 : memref<256x128xf32, #tpu.memory_space<vmem>>) dst(%dma_wait3A_297 : memref<256x128xf32, #tpu.memory_space<hbm>>)
    return
  }
}

</mosaic_0001>

<sc_bundles>
// kernel: kernel.3.cloned.1.call-start
scs
__scs_entry_jumppad:
0x0: {  	(pc) =	sbr.rel $0x88, $3  }
0x1: {  	(tag) =	ssettag $0x0;
	lr =	simm.s32 $0x1  }
0x2: {  	[smem:$0x3F9F] =	sst lr;
	_ =	strace $0xD0000000  }
0x3: {  	_ = 	snop  }
0x4: {  	_ = 	snop  }
0x5: {  	_ = 	snop  }
0x6: {  	_ = 	snop  }
0x7: {  	_ = 	snop  }
__scs_overlays_trampoline_lowered:
0x8: {  	[smem:$0x3FAE] =	sst s0  }
0x9: {  	[smem:$0x3FAF] =	sst s1  }
0xa: {  	[smem:$0x3FB0] =	sst s2  }
0xb: {  	[smem:$0x3FB1] =	sst s3  }
0xc: {  	[smem:$0x3FB2] =	sst s4  }
0xd: {  	[smem:$0x3FB3] =	sst s5  }
0xe: {  	[smem:$0x3FB4] =	sst s6  }
0xf: {  	[smem:$0x3FB5] =	sst s7  }
0x10: {  	[smem:$0x3FB6] =	sst s8  }
0x11: {  	[smem:$0x3FB7] =	sst s9;
	s0 =	simm.s32 @!p0 $0x0  }
0x12: {  	s1 =	sld [smem:$0x3F9D];
	s0 =	simm.s32 @p0 $0x1  }
0x13: {  	[smem:$0x3FB8] =	sst s0;
	s0 =	simm.s32 @!p1 $0x0  }
0x14: {  	s2 =	sld [smem:$0x3F9C];
	s0 =	simm.s32 @p1 $0x1  }
0x15: {  	[smem:$0x3FB9] =	sst s0;
	s0 =	simm.s32 @!p2 $0x0  }
0x16: {  	s3 =	sld [smem:$0x3FDB];
	s0 =	simm.s32 @p2 $0x1  }
0x17: {  	s4 =	simm.s32 $0x1BF5;
	[smem:$0x3FBB] =	sst s0  }
0x18: {  	s0 =	sld [smem:$0x3F9E];
	_ =	swait.ge [sflag:s4], $0x0  }
0x19: {  	s7 =	sld [smem:$0x3F9F]  }
0x1a: {  	s8 =	sadd.s32 $0xFFFFE003, lr  }
0x1b: {  	s9 =	sadd.s32 $0xFFFFFEF7, lr;
	s5 =	simm.s32 $0xFFFFFFFF;
	p2 =	slt.u32 s8, $0xFFFFF086  }
0x1c: {  	p1 =	slt.u32 s9, $0xF7A;
	s5 =	simm.s32 @!p2 $0x0  }
0x1d: {  	s5 =	simm.s32 @p1 $0x1;
	p0 =	seq.s32 s7, s2  }
0x1e: {  	s7 =	smul.u32 @!p0 $0xF7A, s2;
	p2 =	seq.s32 @!p0 s5, $0x0  }
0x1f: {  	s9 =	smul.u32 $0xF7A, s1;
	s8 =	simm.s32 @!p0 $0x1BF5;
	p2 =	por !p2, p0  }
0x20: {  	[sflag:s8] =	ssyncset.s32 @!p0 $0xFFFFF086;
	s6 =	sadd.s32 @!p0 s3, s7;
	s7 =	simm.s32 @!p0 $0x108  }
0x21: {  	s3 =	sadd.s32 s3, s9;
	s6 =	sadd.s32 @!p0 $0x88, s6;
	s7 =	simm.s32 @p2 $0x1082  }
0x22: {  	[simem:s7], [sflag:s8] =	dma.local @!p0 [hbm:s6], $0xF7A  }
0x23: {  	s9 =	sor.u32 $0xD0000000, s2;
	s6 =	simm.s32 $0x108;
	_ =	swait.ge @!p0 [sflag:s8], $0x0  }
0x24: {  	s3 =	sadd.s32 $0x88, s3;
	s6 =	simm.s32 @!p1 $0x1082;
	[sflag:s4] =	ssyncset.s32 $0xFFFFF086  }
0x25: {  	[simem:s6], [sflag:s4] =	dma.local [hbm:s3], $0xF7A  }
0x26: {  	[smem:$0x3F9F] =	sst s1;
	(tag) =	ssettag s2;
	_ =	strace s9  }
0x27: {  	s1 =	sld [smem:$0x3FAF]  }
0x28: {  	s2 =	sld [smem:$0x3FB0]  }
0x29: {  	s4 =	sld [smem:$0x3FB2]  }
0x2a: {  	p0 =	seq.s32 s5, $0x0;
	s5 =	sld [smem:$0x3FB3]  }
0x2b: {  	s6 =	sld [smem:$0x3FB4]  }
0x2c: {  	s7 =	sld [smem:$0x3FB5]  }
0x2d: {  	s3 =	simm.s32 $0x108;
	s8 =	sld [smem:$0x3FB6]  }
0x2e: {  	s3 =	simm.s32 @!p0 $0x1082;
	s9 =	sld [smem:$0x3FB7]  }
0x2f: {  	lr =	sadd.s32 s0, s3;
	s0 =	sld [smem:$0x3FAE]  }
0x30: {  	s3 =	sld [smem:$0x3FB1]  }
0x31: {  	[smem:$0x3FBA] =	sst s10  }
0x32: {  	s10 =	sld [smem:$0x3FB8];
	_ =	sdelay $0x3  }
0x33: {  	p0 =	seq.s32 s10, $0x1;
	s10 =	sld [smem:$0x3FBA];
	_ =	sdelay $0x3  }
0x34: {  	[smem:$0x3FBA] =	sst s10  }
0x35: {  	s10 =	sld [smem:$0x3FB9];
	_ =	sdelay $0x3  }
0x36: {  	p1 =	seq.s32 s10, $0x1;
	s10 =	sld [smem:$0x3FBA];
	_ =	sdelay $0x3  }
0x37: {  	[smem:$0x3FBA] =	sst s10  }
0x38: {  	s10 =	sld [smem:$0x3FBB]  }
0x39: {  	_ = 	snop;
	(pc) =	sbr.ind lr, $3  }
0x3a: {  	_ = 	snop  }
0x3b: {  	_ = 	snop  }
0x3c: {  	p2 =	seq.s32 s10, $0x1;
	s10 =	sld [smem:$0x3FBA]  }
0x3d: {  	_ =	shalt  }
0x3e: {  	_ =	shalt  }
0x3f: {  	_ =	shalt  }
0x40: {  	_ =	shalt  }
0x41: {  	_ =	shalt  }
0x42: {  	_ =	shalt  }
0x43: {  	_ =	shalt  }
0x44: {  	_ =	shalt  }
0x45: {  	_ =	shalt  }
0x46: {  	_ =	shalt  }
0x47: {  	_ =	shalt  }
0x48: {  	_ =	shalt  }
0x49: {  	_ =	shalt  }
0x4a: {  	_ =	shalt  }
0x4b: {  	_ =	shalt  }
0x4c: {  	_ =	shalt  }
0x4d: {  	_ =	shalt  }
0x4e: {  	_ =	shalt  }
0x4f: {  	_ =	shalt  }
0x50: {  	_ =	shalt  }
0x51: {  	_ =	shalt  }
0x52: {  	_ =	shalt  }
0x53: {  	_ =	shalt  }
0x54: {  	_ =	shalt  }
0x55: {  	_ =	shalt  }
0x56: {  	_ =	shalt  }
0x57: {  	_ =	shalt  }
0x58: {  	_ =	shalt  }
0x59: {  	_ =	shalt  }
0x5a: {  	_ =	shalt  }
0x5b: {  	_ =	shalt  }
0x5c: {  	_ =	shalt  }
0x5d: {  	_ =	shalt  }
0x5e: {  	_ =	shalt  }
0x5f: {  	_ =	shalt  }
0x60: {  	_ =	shalt  }
0x61: {  	_ =	shalt  }
0x62: {  	_ =	shalt  }
0x63: {  	_ =	shalt  }
0x64: {  	_ =	shalt  }
0x65: {  	_ =	shalt  }
0x66: {  	_ =	shalt  }
0x67: {  	_ =	shalt  }
0x68: {  	_ =	shalt  }
0x69: {  	_ =	shalt  }
0x6a: {  	_ =	shalt  }
0x6b: {  	_ =	shalt  }
0x6c: {  	_ =	shalt  }
0x6d: {  	_ =	shalt  }
0x6e: {  	_ =	shalt  }
0x6f: {  	_ =	shalt  }
0x70: {  	_ =	shalt  }
0x71: {  	_ =	shalt  }
0x72: {  	_ =	shalt  }
0x73: {  	_ =	shalt  }
0x74: {  	_ =	shalt  }
0x75: {  	_ =	shalt  }
0x76: {  	_ =	shalt  }
0x77: {  	_ =	shalt  }
0x78: {  	_ =	shalt  }
0x79: {  	_ =	shalt  }
0x7a: {  	_ =	shalt  }
0x7b: {  	_ =	shalt  }
0x7c: {  	_ =	shalt  }
0x7d: {  	_ =	shalt  }
0x7e: {  	_ =	shalt  }
0x7f: {  	_ =	shalt  }
0x80: {  	_ =	shalt  }
0x81: {  	_ =	shalt  }
0x82: {  	_ =	shalt  }
0x83: {  	_ =	shalt  }
0x84: {  	_ =	shalt  }
0x85: {  	_ =	shalt  }
0x86: {  	_ =	shalt  }
0x87: {  	_ =	shalt  }
.Lfunc_end0:
.L_simem_size_0:
called_computation_lowered:
.L_overlay_start_0:
0x88: {  	s2 =	sld [smem:$0x3FD9]  }
0x89: {  	s3 =	sld [smem:$0x3FFE];
	_ =	sdelay $0x1  }
0x8a: {  	s1 =	srdreg.scid  }
0x8b: {  	s0 =	sand.u32 $0x1, s1  }
0x8c: {  	s18 =	sshll.u32 s0, $0xA;
	s2 =	sadd.s32 s3, s2  }
0x8d: {  	s2 =	sadd.s32 s2, s18  }
0x8e: {  	[smem:$0x3FC6] =	sst s2  }
0x8f: {  	_ = 	snop  }
0x90: {  	s2 =	sld [smem:$0x3FC9]  }
0x91: {  	s19 =	sld [smem:$0x3FC8]  }
0x92: {  	s4 =	sld [smem:$0x3FD0];
	(tm) =	ssettm $0x1  }
0x93: {  	s5 =	sld [smem:$0x3FFB];
	_ =	sdelay $0x3  }
0x94: {  	_ =	strace s5  }
0x95: {  	s5 =	sld [smem:$0x3FFC];
	_ =	sdelay $0x3  }
0x96: {  	_ =	strace s5  }
0x97: {  	s5 =	sld [smem:$0x3FFD];
	_ =	sdelay $0x3  }
0x98: {  	_ =	strace s5  }
0x99: {  	_ =	strace $0x8FFFFFFF  }
0x9a: {  	s20 =	sld [smem:$0x3FDB];
	_ =	sdelay $0x1  }
0x9b: {  	s6 =	simm.s32 $_scs_section_size  }
0x9c: {  	s7 =	simm.s32 $_size__tile_overlayer_lowered;
	s8 =	simm.s32 $_tile_overlayer_lowered  }
0x9d: {  	s23 =	simm.s32 $0x1BFF;
	s22 =	sshll.u32 s8, $0x1;
	s5 =	sadd.s32 s6, s20  }
0x9e: {  	s9 =	simm.s32 $0x0;
	s21 =	sshll.u32 s7, $0x1;
	s7 =	sadd.s32 s22, s5  }
0x9f: {  	[timem:s9], [sflag:s23] =	dma.local [hbm:s7], s21  }
0xa0: {  	_ =	swait.ge [sflag:s23], s21  }
0xa1: {  	s6 =	ssub.s32 $0x0, s21;
	[sflag:s23] =	ssyncset.done $0x0  }
0xa2: {  	[sflag:s23] =	ssyncadd.s32 s6;
	_ =	sdelay $0x1  }
0xa3: {  	s24 =	simm.s32 $0x1B8B  }
0xa4: {  	_ =	swait.ge [sflag:s24], $0x1  }
0xa5: {  	[sflag:s24] =	ssyncset.done $0x0  }
0xa6: {  	s25 =	simm.s32 $0x1B8E;
	[sflag:s24] =	ssyncadd.s32 $0xFFFFFFFF  }
0xa7: {  	s26 =	simm.s32 $execute0_lowered;
	[smem:$0x3FD2] =	sst s25  }
0xa8: {  	s6 =	sshll.u32 s26, $0x1;
	_ =	strace $0x80000046;
	[dreg:$0x1] =	wrdreg $0xFFFFFFFF  }
0xa9: {  	s28 =	simm.s32 $_size_execute0_lowered;
	s5 =	sadd.s32 s5, s6;
	[dreg:$0x0] =	wrdreg $0x0  }
0xaa: {  	s6 =	sshll.u32 s28, $0x1;
	[dreg:$0x2] =	wrdreg s5  }
0xab: {  	[dreg:$0x3] =	wrdreg s6  }
0xac: {  	[dreg:$0x4] =	wrdreg $0xC0  }
0xad: {  	_ =	task [dreg:s9], $0x5FFFF  }
0xae: {  	[dreg:$0x1] =	wrdreg $0xFFFFFFFF  }
0xaf: {  	[dreg:$0x0] =	wrdreg $0x60  }
0xb0: {  	[dreg:$0x2] =	wrdreg s19  }
0xb1: {  	[dreg:$0x3] =	wrdreg s2  }
0xb2: {  	[dreg:$0x4] =	wrdreg s4  }
0xb3: {  	[dreg:$0x5] =	wrdreg $0x9  }
0xb4: {  	_ =	task.clear_ibuf [dreg:s9], $0x6FFFF;
	_ =	strace $0x90000046  }
0xb5: {  	s29 =	simm.s32 $0x9;
	_ =	strace $0x80000048  }
0xb6: {  	_ =	swait.ge [sflag:s29], $0x1  }
0xb7: {  	[sflag:s29] =	ssyncadd.s32 $0xFFFFFFFF  }
0xb8: {  	_ =	strace $0x90000048  }
0xb9: {  	_ =	sfence  }
0xba: {  	s30 =	sld [smem:$0x0];
	_ =	sdelay $0x2  }
0xbb: {  	s31 =	sshll.u32 s1, $0xD;
	s1 =	sshrl.u32 s1, $0x2  }
0xbc: {  	s3 =	sand.u32 $0x4000, s31;
	s1 =	sadd.s32 s1, s30  }
0xbd: {  	s0 =	sor.u32 s3, s0;
	s1 =	sshll.u32 s1, $0x11  }
0xbe: {  	s0 =	sor.u32 s1, s0  }
0xbf: {  	s0 =	sadd.s32 $0x8F2B, s0  }
0xc0: {  	[sflag:s0] =	ssyncadd.remote.s32 $0x1  }
0xc1: {  	_ =	sfence.sel $0xFFFF  }
0xc2: {  	[dreg:$0x0] =	wrdreg $0xFFFFFFFF;
	(pc) =	sbr.abs _section_cstart, $3  }
0xc3: {  	[dreg:$0x1] =	wrdreg $0xFFFFFFFF  }
0xc4: {  	_ =	task.clear_ibuf [dreg:s9], $0x2FFFF;
	_ =	strace $0x9FFFFFFF  }
0xc5: {  	(tm) =	ssettm $0x7FFFFFFF  }
tec
execute0_lowered:
.L_overlay_start_1:
0x0: {  	(tag) =	ssettag $0x1  }
0x1: {  	s1 =	rddreg [dreg:$0x0]  }
0x2: {  	s0 =	rddreg [dreg:$0x1]  }
0x3: {  	s3 =	rddreg [dreg:$0x2];
	s4 =	simm.s32 $0x0  }
0x4: {  	s19 =	stileid.u32;
	s2 =	srdreg.scid;
	s29 =	simm.s32 $0x1  }
0x5: {  	s30 =	simm.s32 $0x2;
	s31 =	simm.s32 $0x0;
	[smem:$0x7FF] =	sst s4  }
0x6: {  	s5 =	sshll.u32 s19, $0x1;
	s2 =	sand.u32 $0x1, s2;
	s14 =	sshrl.u32 s19, $0x3  }
0x7: {  	s19 =	sand.u32 $0x7, s19;
	s5 =	sand.u32 $0xE, s5;
	s9 =	smul.u32 $0x19, s14  }
0x8: {  	s6 =	ssub.s32 $0x2, s2;
	s18 =	smul.u32 $0x1900, s14;
	_ =	strace $0x80000047  }
0x9: {  	s12 =	sshll.u32 s14, $0x7;
	s25 =	sshll.u32 s19, $0x10;
	s26 =	smul.u32 $0xC80, s14  }
0xa: {  	s10 =	sor.u32 s2, s5;
	s8 =	sshrl.u32 s6, $0x1;
	s2 =	sshll.u32 s2, $0xF  }
0xb: {  	s7 =	sshll.u32 s10, $0x8;
	s15 =	ssub.s32 s6, s8;
	s11 =	sand.u32 $0x1800, s18  }
0xc: {  	s13 =	sadd.s32 $0x1, s9;
	s21 =	sadd.s32 $0x2, s9;
	s10 =	sshll.u32 s10, $0xF  }
0xd: {  	s18 =	sadd.s32 $0x300, s18;
	s0 =	sadd.s32 s0, s7;
	s16 =	sor.u32 s12, s11  }
0xe: {  	s17 =	sshll.u32 s13, $0x8;
	s8 =	sshll.u32 s13, $0x7;
	[dreg:$0x4] =	wrdreg s0  }
0xf: {  	s9 =	sshll.u32 s21, $0x8;
	s15 =	smax.u32 s15, $0x1;
	[dreg:$0x5] =	wrdreg s16  }
0x10: {  	s5 =	sor.u32 $0x400, s16;
	s0 =	sand.u32 $0x3800, s17;
	s8 =	sand.u32 $0x380, s8  }
0x11: {  	s16 =	smul.u32 $0xC80000, s14;
	s11 =	sand.u32 $0x3800, s9;
	[dreg:$0x6] =	wrdreg s5  }
0x12: {  	s20 =	sor.u32 s8, s0;
	s0 =	sshll.u32 s21, $0x7;
	s21 =	simm.s32 $0x80  }
0x13: {  	s0 =	sand.u32 $0x380, s0;
	s13 =	sor.u32 s16, s10;
	s5 =	sor.u32 $0x400, s20  }
0x14: {  	s9 =	smov.u32 s20;
	s16 =	sor.u32 s25, s16;
	[dreg:$0x7] =	wrdreg s5  }
0x15: {  	s10 =	sor.u32 s0, s11;
	s22 =	sshrl.u32 s13, $0x3;
	s23 =	sadd.s32 $0xB80000, s13  }
0x16: {  	s17 =	sadd.s32 $0xC00000, s13;
	s28 =	sor.u32 s2, s16;
	s11 =	sor.u32 $0x400, s10  }
0x17: {  	s12 =	sadd.s32 s3, s22;
	s0 =	sshrl.u32 s23, $0x3;
	s24 =	sshrl.u32 s17, $0x3  }
0x18: {  	s16 =	sadd.s32 $0x80000, s28;
	s17 =	sadd.s32 $0x180, s26;
	s22 =	simm.s32 $0x3800  }
0x19: {  	s26 =	simm.s32 $0x13800;
	s13 =	sadd.s32 s3, s0;
	s14 =	sadd.s32 s3, s24  }
.LBB2_1:
0x1a: {  	s0 =	rddreg [dreg:$0x4]  }
0x1b: {  	s2 =	simm.s32 $0x800;
	s5 =	simm.s32 $0x8000;
	s24 =	simm.s32 $0x3  }
0x1c: {  	[tilespmem:s4], [sflag:$0x3] =	stream.strided.gather [hbm4b:s0+s2], $0x3800, s5, s2, $0x38;
	[tilespmem:$0x1B800] =	vst v63  }
0x1d: {  	_ =	swait.ge [sflag:s24], $0x3800  }
0x1e: {  	[sflag:s24] =	ssyncset.done $0x0  }
0x1f: {  	s25 =	rddreg [dreg:$0x5];
	[sflag:s24] =	ssyncadd.s32 $0xFFFFC800  }
0x20: {  	[tilespmem:s22], [sflag:$0x1] =	stream.indirect.gather [hbm4b:s1+s21], $0x80, s25, s21, $0xb8;
	[tilespmem:$0x1B800] =	vst v63  }
0x21: {  	s6 =	simm.s32 $0x7800;
	s5 =	rddreg [dreg:$0x6]  }
0x22: {  	[tilespmem:s6], [sflag:$0x1] =	stream.indirect.gather [hbm4b:s1+s21], $0x80, s5, s21, $0xb8;
	[tilespmem:$0x1B800] =	vst v63  }
0x23: {  	s7 =	simm.s32 $0xB800  }
0x24: {  	[tilespmem:s7], [sflag:$0x1] =	stream.indirect.gather [hbm4b:s1+s21], $0x80, s9, s21, $0xb8;
	[tilespmem:$0x1B800] =	vst v63  }
0x25: {  	s19 =	simm.s32 $0xF800;
	s8 =	rddreg [dreg:$0x7]  }
0x26: {  	[tilespmem:s19], [sflag:$0x1] =	stream.indirect.gather [hbm4b:s1+s21], $0x80, s8, s21, $0xb8;
	[tilespmem:$0x1B800] =	vst v63  }
0x27: {  	_ = 	snop  }
0x28: {  	[tilespmem:s26], [sflag:$0x1] =	stream.indirect.gather [hbm4b:s1+s21], $0x80, s10, s21, $0xb8;
	[tilespmem:$0x1B800] =	vst v63  }
0x29: {  	s20 =	simm.s32 $0x17800;
	s0 =	smul.u32 $0xAB, s24  }
0x2a: {  	[tilespmem:s20], [sflag:$0x1] =	stream.indirect.gather [hbm4b:s1+s21], $0x80, s11, s21, $0xb8;
	[tilespmem:$0x1B800] =	vst v63  }
0x2b: {  	s23 =	sshrl.u32 s0, $0x9;
	_ =	swait.ge [sflag:s29], $0x4000  }
0x2c: {  	s2 =	sand.u32 $0x7F, s23;
	[sflag:s29] =	ssyncset.done $0x0  }
0x2d: {  	s2 =	smul.u32 $0x3, s2;
	[sflag:s29] =	ssyncadd.s32 $0xFFFFC000  }
0x2e: {  	_ =	swait.ge [sflag:s29], $0x4000  }
0x2f: {  	s2 =	ssub.s32 $0x3, s2;
	[sflag:s29] =	ssyncset.done $0x0  }
0x30: {  	s2 =	sand.u32 $0xFF, s2;
	[sflag:s29] =	ssyncadd.s32 $0xFFFFC000  }
0x31: {  	[hbm4b:s12+s4] =	stream.linear.scatter [tilespmem:s22], [sflag:$0x2], $0x8000, $0x38;
	[tilespmem:$0x1B800] =	vst v63  }
0x32: {  	s2 =	sshll.u32 s2, $0xF;
	_ =	swait.ge [sflag:s30], $0x8000  }
0x33: {  	s19 =	sand.u32 $0x380, s17;
	s20 =	sand.u32 $0x7800, s18;
	[sflag:s30] =	ssyncset.done $0x0  }
0x34: {  	s23 =	sor.u32 $0x3800, s2;
	s19 =	sor.u32 s19, s20;
	[sflag:s30] =	ssyncadd.s32 $0xFFFF8000  }
0x35: {  	[tilespmem:s23], [sflag:$0x1] =	stream.indirect.gather [hbm4b:s1+s21], $0x80, s19, s21, $0xb8;
	[tilespmem:$0x1B800] =	vst v63  }
0x36: {  	s24 =	sadd.s32 $0xFFFFFEAA, s0;
	s2 =	sor.u32 $0x7800, s2;
	s19 =	sor.u32 $0x400, s19  }
0x37: {  	[tilespmem:s2], [sflag:$0x1] =	stream.indirect.gather [hbm4b:s1+s21], $0x80, s19, s21, $0xb8;
	[tilespmem:$0x1B800] =	vst v63  }
0x38: {  	s0 =	simm.s32 $0x4;
	s25 =	sshrl.u32 s24, $0x9;
	_ =	swait.ge [sflag:s29], $0x4000  }
0x39: {  	s24 =	simm.s32 $0x5;
	s2 =	sand.u32 $0x7F, s25;
	[sflag:s29] =	ssyncset.done $0x0  }
0x3a: {  	s20 =	sadd.s32 $0x80, s17;
	s25 =	smul.u32 $0x3, s2;
	[sflag:s29] =	ssyncadd.s32 $0xFFFFC000  }
0x3b: {  	s23 =	smul.u32 $0xAB, s0;
	s19 =	sadd.s32 $0x100, s18;
	_ =	swait.ge [sflag:s29], $0x4000  }
0x3c: {  	s2 =	sadd.s32 $0x80000, s16;
	s25 =	ssub.s32 $0x3, s25;
	[sflag:s29] =	ssyncset.done $0x0  }
0x3d: {  	s28 =	sadd.s32 $0xFFFFFFFE, s25;
	s25 =	sshrl.u32 s16, $0x3;
	[sflag:s29] =	ssyncadd.s32 $0xFFFFC000  }
.LBB2_2:
0x3e: {  	s5 =	sshrl.u32 s23, $0x9;
	s28 =	sand.u32 $0xFF, s28;
	s7 =	smov.u32 s0  }
0x3f: {  	s0 =	smov.u32 s24;
	s6 =	sadd.s32 $0x1, s24;
	s8 =	smov.u32 s2  }
0x40: {  	s25 =	sadd.s32 s3, s25;
	s5 =	sand.u32 $0x7F, s5;
	s28 =	sshll.u32 s28, $0xF  }
0x41: {  	p0 =	sne.s32 s24, $0x18;
	s5 =	smul.u32 $0x3, s5;
	s24 =	sor.u32 $0x3800, s28  }
0x42: {  	[hbm4b:s25+s4] =	stream.linear.scatter [tilespmem:s24], [sflag:$0x2], $0x8000, $0x38;
	[tilespmem:$0x1B800] =	vst v63  }
0x43: {  	s5 =	ssub.s32 s7, s5  }
0x44: {  	s24 =	sand.u32 $0x380, s20;
	_ =	swait.ge [sflag:s30], $0x8000;
	s5 =	sand.u32 $0xFF, s5  }
0x45: {  	s25 =	sand.u32 $0x7800, s19;
	[sflag:s30] =	ssyncset.done $0x0;
	s5 =	sshll.u32 s5, $0xF  }
0x46: {  	s24 =	sor.u32 s24, s25;
	[sflag:s30] =	ssyncadd.s32 $0xFFFF8000;
	s28 =	sor.u32 $0x3800, s5  }
0x47: {  	[tilespmem:s28], [sflag:$0x1] =	stream.indirect.gather [hbm4b:s1+s21], $0x80, s24, s21, $0xb8;
	[tilespmem:$0x1B800] =	vst v63  }
0x48: {  	s23 =	sadd.s32 $0xFFFFFEAA, s23;
	s5 =	sor.u32 $0x7800, s5;
	s24 =	sor.u32 $0x400, s24  }
0x49: {  	[tilespmem:s5], [sflag:$0x1] =	stream.indirect.gather [hbm4b:s1+s21], $0x80, s24, s21, $0xb8;
	[tilespmem:$0x1B800] =	vst v63  }
0x4a: {  	s2 =	sadd.s32 $0x80000, s2;
	s5 =	sshrl.u32 s23, $0x9;
	_ =	swait.ge [sflag:s29], $0x4000  }
.Ltmp0:
0x4b: {  	s5 =	sand.u32 $0x7F, s5;
	[sflag:s29] =	ssyncset.done $0x0;
	(pc) =	sbr.rel @p0 .LBB2_2-.Ltmp0, $4  }
0x4c: {  	s19 =	sadd.s32 $0x100, s19;
	s5 =	smul.u32 $0x3, s5;
	[sflag:s29] =	ssyncadd.s32 $0xFFFFC000  }
0x4d: {  	s20 =	sadd.s32 $0x80, s20;
	s25 =	sshrl.u32 s8, $0x3;
	_ =	swait.ge [sflag:s29], $0x4000  }
0x4e: {  	s23 =	smul.u32 $0xAB, s0;
	s5 =	ssub.s32 s7, s5;
	[sflag:s29] =	ssyncset.done $0x0  }
0x4f: {  	s24 =	smov.u32 s6;
	s28 =	sadd.s32 $0xFFFFFFFE, s5;
	[sflag:s29] =	ssyncadd.s32 $0xFFFFC000  }
0x50: {  	s5 =	sshrl.u32 s23, $0x9;
	s6 =	sand.u32 $0xFF, s28  }
0x51: {  	s5 =	sand.u32 $0x7F, s5;
	s6 =	sshll.u32 s6, $0xF  }
0x52: {  	s7 =	sadd.s32 s3, s25;
	s5 =	smul.u32 $0x3, s5;
	s6 =	sor.u32 $0x3800, s6  }
0x53: {  	[hbm4b:s7+s4] =	stream.linear.scatter [tilespmem:s6], [sflag:$0x2], $0x8000, $0x38;
	[tilespmem:$0x1B800] =	vst v63  }
0x54: {  	s24 =	sadd.s32 $0xFFFFFEAA, s23;
	s5 =	ssub.s32 s0, s5  }
0x55: {  	s7 =	sand.u32 $0x380, s20;
	_ =	swait.ge [sflag:s30], $0x8000;
	s5 =	sand.u32 $0xFF, s5  }
0x56: {  	s20 =	sand.u32 $0x7800, s19;
	[sflag:s30] =	ssyncset.done $0x0;
	s5 =	sshll.u32 s5, $0xF  }
0x57: {  	s6 =	sor.u32 s7, s20;
	[sflag:s30] =	ssyncadd.s32 $0xFFFF8000;
	s8 =	sor.u32 $0x3800, s5  }
0x58: {  	[tilespmem:s8], [sflag:$0x1] =	stream.indirect.gather [hbm4b:s1+s21], $0x80, s6, s21, $0xb8;
	[tilespmem:$0x1B800] =	vst v63  }
0x59: {  	s25 =	sshrl.u32 s24, $0x9;
	s5 =	sor.u32 $0x7800, s5;
	s6 =	sor.u32 $0x400, s6  }
0x5a: {  	[tilespmem:s5], [sflag:$0x1] =	stream.indirect.gather [hbm4b:s1+s21], $0x80, s6, s21, $0xb8;
	[tilespmem:$0x1B800] =	vst v63  }
0x5b: {  	s5 =	sand.u32 $0x7F, s25  }
0x5c: {  	s5 =	smul.u32 $0x3, s5  }
0x5d: {  	_ =	swait.ge [sflag:s29], $0x4000  }
0x5e: {  	[sflag:s29] =	ssyncset.done $0x0;
	s28 =	ssub.s32 s0, s5  }
0x5f: {  	[sflag:s29] =	ssyncadd.s32 $0xFFFFC000;
	s0 =	sadd.s32 $0xFFFFFFFE, s28  }
0x60: {  	_ =	swait.ge [sflag:s29], $0x4000;
	s0 =	sand.u32 $0xFF, s0  }
0x61: {  	s2 =	sshrl.u32 s2, $0x3;
	[sflag:s29] =	ssyncset.done $0x0;
	s0 =	sshll.u32 s0, $0xF  }
0x62: {  	s2 =	sadd.s32 s3, s2;
	[sflag:s29] =	ssyncadd.s32 $0xFFFFC000;
	s0 =	sor.u32 $0x3800, s0  }
0x63: {  	[hbm4b:s2+s4] =	stream.linear.scatter [tilespmem:s0], [sflag:$0x2], $0x8000, $0x38;
	[tilespmem:$0x1B800] =	vst v63  }
0x64: {  	_ =	swait.ge [sflag:s30], $0x8000  }
0x65: {  	[sflag:s30] =	ssyncset.done $0x0  }
0x66: {  	[sflag:s30] =	ssyncadd.s32 $0xFFFF8000  }
0x67: {  	_ =	swait.ge [sflag:s29], $0x4000  }
0x68: {  	[sflag:s29] =	ssyncset.done $0x0  }
0x69: {  	[sflag:s29] =	ssyncadd.s32 $0xFFFFC000  }
0x6a: {  	_ =	swait.ge [sflag:s29], $0x4000  }
0x6b: {  	[sflag:s29] =	ssyncset.done $0x0  }
0x6c: {  	[sflag:s29] =	ssyncadd.s32 $0xFFFFC000  }
0x6d: {  	[hbm4b:s13+s4] =	stream.linear.scatter [tilespmem:s26], [sflag:$0x2], $0x8000, $0x38;
	[tilespmem:$0x1B800] =	vst v63  }
0x6e: {  	_ =	swait.ge [sflag:s30], $0x8000  }
0x6f: {  	[sflag:s30] =	ssyncset.done $0x0  }
0x70: {  	[sflag:s30] =	ssyncadd.s32 $0xFFFF8000  }
0x71: {  	_ =	swait.ge [sflag:s29], $0x4000  }
0x72: {  	[sflag:s29] =	ssyncset.done $0x0  }
0x73: {  	[sflag:s29] =	ssyncadd.s32 $0xFFFFC000  }
0x74: {  	s31 =	sadd.s32 $0x1, s31;
	_ =	swait.ge [sflag:s29], $0x4000  }
0x75: {  	p0 =	sne.s32 s31, s15;
	[sflag:s29] =	ssyncset.done $0x0  }
.Ltmp1:
0x76: {  	[sflag:s29] =	ssyncadd.s32 $0xFFFFC000;
	(pc) =	sbr.rel @p0 .LBB2_1-.Ltmp1, $4  }
0x77: {  	[hbm4b:s14+s4] =	stream.linear.scatter [tilespmem:s22], [sflag:$0x2], $0x8000, $0x38;
	[tilespmem:$0x1B800] =	vst v63  }
0x78: {  	_ =	swait.ge [sflag:s30], $0x8000  }
0x79: {  	[sflag:s30] =	ssyncset.done $0x0  }
0x7a: {  	[sflag:s30] =	ssyncadd.s32 $0xFFFF8000  }
0x7b: {  	_ =	sfence.sel $0x180000  }
0x7c: {  	[bflag:$0x0] =	sbarrier.arrive $0xFFFF  }
0x7d: {  	_ =	strace $0x90000047  }
0x7e: {  	s0 =	stileid.u32;
	[bflag:$0x2] =	sbarrier.arrive $0xFFFF  }
0x7f: {  	p0 =	sne.s32 s0, $0x0;
	s0 =	rddreg [dreg:$0x3]  }
0x80: {  	s0 =	sadd.s32 @!p0 $0x100000, s0  }
0x81: {  	[sflag:s0] =	ssyncadd.tile.s32 @!p0 $0x1;
	_ =	shalt  }
.Lfunc_end2:
_tile_overlayer_lowered:
.L_overlay_start_2:
0x82: {  	(tag) =	ssettag $0x2  }
0x83: {  	s0 =	rddreg [dreg:$0x0];
	s2 =	stileid.u32  }
0x84: {  	s1 =	rddreg [dreg:$0x1];
	p0 =	sne.s32 s2, $0x0  }
0x85: {  	s3 =	rddreg [dreg:$0x2];
	[bflag:$0x3] =	sbarrier.arrive $0xFFFF;
	s2 =	simm.s32 @!p0 $0x1C03  }
0x86: {  	[timem:s3], [sflag:s2] =	dma.local @!p0 [hbm:s0], s1  }
0x87: {  	s0 =	simm.s32 @!p0 $0x3  }
0x88: {  	_ =	swait.ge @!p0 [sflag:s0], s1  }
0x89: {  	s1 =	ssub.s32 @!p0 $0x0, s1;
	[sflag:s0] =	ssyncset.done @!p0 $0x0  }
0x8a: {  	[sflag:s0] =	ssyncadd.s32 @!p0 s1  }
0x8b: {  	[bflag:$0x3] =	sbarrier.arrive $0xFFFF  }
0x8c: {  	_ =	shalt  }

</sc_bundles>
